<compile_context>
chip_gen: v7x
topology: tpu7x:2x2x1
jax: 0.10.2.dev20260603
libtpu: 0.0.44.dev20260713+nightly
codegen_flags: <defaults>
</compile_context>

<pallas_src>
import functools

import jax
import jax.numpy as jnp
from jax import lax
from jax.experimental import pallas as pl
from jax.experimental.pallas import tpu as pltpu
from jax.experimental.pallas import tpu_sc as plsc

BATCH = 16384
VOCAB = 1000000
EMB_DIM = 2
N_CLASSES = 100

_NC = 2
_NS = 16
_NW = _NC * _NS
_PW = BATCH // _NW
_NG = _PW // 16


def _sc_gather(table, idx):
    mesh = plsc.VectorSubcoreMesh(core_axis_name="c", subcore_axis_name="s")

    @functools.partial(
        pl.kernel,
        out_type=jax.ShapeDtypeStruct((EMB_DIM, BATCH), jnp.float32),
        mesh=mesh,
        scratch_types=[
            pltpu.VMEM((_PW,), jnp.int32),
            pltpu.VMEM((_PW, EMB_DIM), jnp.float32),
            pltpu.VMEM((_PW,), jnp.float32),
            pltpu.VMEM((_PW,), jnp.float32),
            pltpu.SemaphoreType.DMA,
        ],
        compiler_params=pltpu.CompilerParams(
            use_tc_tiling_on_sc=True, needs_layout_passes=False
        ),
    )
    def gather_kernel(tbl, idx_h, out_h, idx_v, buf_v, e0_v, e1_v, sem):
        wid = lax.axis_index("s") * _NC + lax.axis_index("c")
        base = wid * _PW
        pltpu.sync_copy(idx_h.at[wid], idx_v)
        lanes = lax.iota(jnp.int32, 16)

        def fire_group(m):
            v = idx_v[pl.ds(m * 16, 16)]
            for t in range(16):
                i0 = lax.reduce_sum(jnp.where(lanes == t, v, 0), axes=(0,))
                pltpu.async_copy(
                    tbl.at[pl.ds(i0, 1)], buf_v.at[pl.ds(m * 16 + t, 1)], sem
                )

        def drain_group(m):
            for t in range(16):
                pltpu.make_async_copy(
                    tbl.at[pl.ds(0, 1)], buf_v.at[pl.ds(m * 16 + t, 1)], sem
                ).wait()

        zeros = jnp.zeros((16,), jnp.int32)
        ones = zeros + 1

        def extract_group(m):
            rid = lanes + m * 16
            e0_v[pl.ds(m * 16, 16)] = plsc.load_gather(buf_v, [rid, zeros])
            e1_v[pl.ds(m * 16, 16)] = plsc.load_gather(buf_v, [rid, ones])

        def body(m, carry):
            fire_group(m)

            @pl.when(m > 1)
            def _():
                drain_group(m - 2)
                extract_group(m - 2)

            return carry

        lax.fori_loop(0, _NG, body, 0)
        for g in (_NG - 2, _NG - 1):
            drain_group(g)
            extract_group(g)
        pltpu.sync_copy(e0_v, out_h.at[0, pl.ds(base, _PW)])
        pltpu.sync_copy(e1_v, out_h.at[1, pl.ds(base, _PW)])

    return gather_kernel(table, idx)


def _tc_dense_softmax(eT, wt, b2):
    rows = 2048
    grid = BATCH // rows

    def body(et_ref, wt_ref, b_ref, out_ref):
        logits = lax.dot_general(
            et_ref[...], wt_ref[...],
            (((0,), (0,)), ((), ())),
            preferred_element_type=jnp.float32,
        ) + b_ref[...]
        m = jnp.max(logits, axis=1, keepdims=True)
        p = jnp.exp(logits - m)
        out_ref[...] = p / jnp.sum(p, axis=1, keepdims=True)

    return pl.pallas_call(
        body,
        grid=(grid,),
        in_specs=[
            pl.BlockSpec((EMB_DIM, rows), lambda i: (0, i)),
            pl.BlockSpec((EMB_DIM, N_CLASSES), lambda i: (0, 0)),
            pl.BlockSpec((1, N_CLASSES), lambda i: (0, 0)),
        ],
        out_specs=pl.BlockSpec((rows, N_CLASSES), lambda i: (i, 0)),
        out_shape=jax.ShapeDtypeStruct((BATCH, N_CLASSES), jnp.float32),
    )(eT, wt, b2)


@jax.jit
def kernel(x, emb, W, b):
    idx = x.astype(jnp.int32).reshape(_NW, _PW)
    eT = _sc_gather(emb, idx)
    return _tc_dense_softmax(eT, W.T, b.reshape(1, N_CLASSES))

# --- scband reference (transcript-rebuilt; emitter-appended) ---
"""Pipeline reference for scband-net-3350074491433 (READ-ONLY COPY).

The authoritative reference and input builder live on the scoring server;
editing this copy changes nothing except your own understanding.
"""

import jax, jax.numpy as jnp
import numpy as np

VOCAB = 1000000
EMB_DIM = 2
N_CLASSES = 100
BATCH = 16384


def setup_inputs(seed: int = 0) -> dict:
    key = jax.random.key(seed)
    k1, k2, k3, k4 = jax.random.split(key, 4)
    x = jax.random.randint(k1, (BATCH,), 0, VOCAB, dtype=jnp.int64 if jax.config.jax_enable_x64 else jnp.int32)
    emb = jax.random.normal(k2, (VOCAB, EMB_DIM), dtype=jnp.float32)
    W = jax.random.normal(k3, (N_CLASSES, EMB_DIM), dtype=jnp.float32) * (1.0 / np.sqrt(EMB_DIM))
    b = jax.random.normal(k4, (N_CLASSES,), dtype=jnp.float32) * 0.01
    return {"x": x, "emb": emb, "W": W, "b": b}


def reference(x, emb, W, b):
    # nn.Embedding: gather rows from the table
    e = jnp.take(emb, x, axis=0)              # [B, 2]
    # nn.Linear(2, n_classes): y = e @ W^T + b
    logits = e @ W.T + b                      # [B, n_classes]
    # nn.Softmax(dim=1)
    out = jax.nn.softmax(logits, axis=1)
    return out

if __name__ == "__main__":
    import jax
    _d = setup_inputs()
    print(jax.jit(kernel)(*tuple(_d.values())))

</pallas_src>

<mosaic_0001>
#map = affine_map<(d0, d1) -> (0, 0)>
module attributes {stable_mosaic.version = 14 : i64} {
  func.func @gather_kernel(%arg0: i32, %arg1: i32, %arg2: memref<1000000x2xf32, #tpu.memory_space<hbm>>, %arg3: memref<32x512xi32, #tpu.memory_space<hbm>>, %arg4: memref<2x16384xf32, #tpu.memory_space<hbm>>, %arg5: memref<512xi32, #tpu.memory_space<vmem>>, %arg6: memref<512x2xf32, #tpu.memory_space<vmem>>, %arg7: memref<512xf32, #tpu.memory_space<vmem>>, %arg8: memref<512xf32, #tpu.memory_space<vmem>>, %arg9: memref<!tpu.dma_semaphore, #tpu.memory_space<semaphore_mem>>) attributes {dimension_semantics = [#tpu.dimension_semantics<core_parallel>, #tpu.dimension_semantics<subcore_parallel>], iteration_bounds = array<i64: 2, 16>, scalar_prefetch = 0 : i64, scratch_operands = 5 : i64, tpu.core_type = #tpu.core_type<sc_vector_subcore>, window_params = [{transform_indices = #map}, {transform_indices = #map}, {transform_indices = #map}]} {
    %mul3A = arith.constant 2 : i32
    %mul3A_0 = arith.muli %arg1, %mul3A : i32
    %add3A = arith.addi %mul3A_0, %arg0 : i32
    %mul3A_1 = arith.constant 512 : i32
    %mul3A_2 = arith.muli %add3A, %mul3A_1 : i32
    "tpu.region"() ({
      %run_scoped3A_412 = tpu.sem_alloc : memref<!tpu.dma_semaphore, #tpu.memory_space<semaphore_mem>>
      %dma_start3A = arith.constant 0 : i32
      %dma_start3A_413 = tpu.memref_slice %arg3[%add3A, %dma_start3A] : memref<32x512xi32, #tpu.memory_space<hbm>> -> memref<1x512xi32, #tpu.memory_space<hbm>>
      %dma_start3A_414 = tpu.memref_squeeze %dma_start3A_413 : memref<1x512xi32, #tpu.memory_space<hbm>> -> memref<512xi32, #tpu.memory_space<hbm>>
      %dma_start3A_415 = arith.constant 0 : i32
      %dma_start3A_416 = tpu.memref_slice %arg3[%add3A, %dma_start3A_415] : memref<32x512xi32, #tpu.memory_space<hbm>> -> memref<1x512xi32, #tpu.memory_space<hbm>>
      %dma_start3A_417 = tpu.memref_squeeze %dma_start3A_416 : memref<1x512xi32, #tpu.memory_space<hbm>> -> memref<512xi32, #tpu.memory_space<hbm>>
      tpu.enqueue_dma source(%dma_start3A_417 : memref<512xi32, #tpu.memory_space<hbm>>) target(%arg5 : memref<512xi32, #tpu.memory_space<vmem>>) target_semaphore(%run_scoped3A_412 : memref<!tpu.dma_semaphore, #tpu.memory_space<semaphore_mem>>)
      %dma_wait3A_418 = arith.constant 0 : i32
      %dma_wait3A_419 = tpu.memref_slice %arg3[%add3A, %dma_wait3A_418] : memref<32x512xi32, #tpu.memory_space<hbm>> -> memref<1x512xi32, #tpu.memory_space<hbm>>
      %dma_wait3A_420 = tpu.memref_squeeze %dma_wait3A_419 : memref<1x512xi32, #tpu.memory_space<hbm>> -> memref<512xi32, #tpu.memory_space<hbm>>
      %dma_wait3A_421 = arith.constant 0 : i32
      %dma_wait3A_422 = tpu.memref_slice %arg3[%add3A, %dma_wait3A_421] : memref<32x512xi32, #tpu.memory_space<hbm>> -> memref<1x512xi32, #tpu.memory_space<hbm>>
      %dma_wait3A_423 = tpu.memref_squeeze %dma_wait3A_422 : memref<1x512xi32, #tpu.memory_space<hbm>> -> memref<512xi32, #tpu.memory_space<hbm>>
      tpu.wait_dma2 semaphore(%run_scoped3A_412 : memref<!tpu.dma_semaphore, #tpu.memory_space<semaphore_mem>>) src(%dma_wait3A_423 : memref<512xi32, #tpu.memory_space<hbm>>) dst(%arg5 : memref<512xi32, #tpu.memory_space<vmem>>)
      tpu.yield
    }) : () -> ()
    %iota3A = tpu.iota {dimensions = array<i32: 0>} : vector<16xi32>
    %broadcast_in_dim3A = arith.constant 0 : i32
    %broadcast_in_dim3A_3 = vector.broadcast %broadcast_in_dim3A : i32 to vector<16xi32>
    %add3A_4 = arith.constant 1 : i32
    %add3A_5 = vector.broadcast %add3A_4 : i32 to vector<16xi32>
    %add3A_6 = arith.addi %broadcast_in_dim3A_3, %add3A_5 : vector<16xi32>
    %scan3A = arith.constant 0 : i32
    %scan3A_7 = arith.constant 0 : i32
    %scan3A_8 = arith.constant 32 : i32
    %scan3A_9 = arith.addi %scan3A_7, %scan3A_8 : i32
    %scan3A_10 = arith.constant 1 : i32
    scf.for %scan3A_412 = %scan3A_7 to %scan3A_9 step %scan3A_10  : i32 {
      %mul3A_413 = arith.constant 16 : i32
      %mul3A_414 = arith.muli %scan3A_412, %mul3A_413 : i32
      %get3A = arith.index_cast %mul3A_414 : i32 to index
      %get3A_415 = tpu.vector_load %arg5[%get3A] {strides = array<i32>} : memref<512xi32, #tpu.memory_space<vmem>>, vector<16xi32>,
      %eq3A = arith.constant 0 : i32
      %eq3A_416 = vector.broadcast %eq3A : i32 to vector<16xi32>
      %eq3A_417 = arith.cmpi eq, %iota3A, %eq3A_416 : vector<16xi32>
      %jit3A = arith.constant 0 : i32
      %broadcast_in_dim3A_418 = vector.broadcast %jit3A : i32 to vector<16xi32>
      %select_n3A = arith.select %eq3A_417, %get3A_415, %broadcast_in_dim3A_418 : vector<16xi1>, vector<16xi32>
      %reduce_sum3A = arith.constant true
      %reduce_sum3A_419 = vector.broadcast %reduce_sum3A : i1 to vector<16xi1>
      %reduce_sum3A_420 = tpu.scan <sum>, %select_n3A masked %reduce_sum3A_419 : vector<16xi32>, vector<16xi1> -> vector<16xi32>
      %reduce_sum3A_421 = vector.extract %reduce_sum3A_420[15] : i32 from vector<16xi32>
      %mul3A_422 = arith.constant 16 : i32
      %mul3A_423 = arith.muli %scan3A_412, %mul3A_422 : i32
      %add3A_424 = arith.constant 0 : i32
      %add3A_425 = arith.addi %mul3A_423, %add3A_424 : i32
      %dma_start3A = arith.constant 0 : i32
      %dma_start3A_426 = tpu.memref_slice %arg6[%add3A_425, %dma_start3A] : memref<512x2xf32, #tpu.memory_space<vmem>> -> memref<1x2xf32, #tpu.memory_space<vmem>>
      %dma_start3A_427 = arith.constant 0 : i32
      %dma_start3A_428 = tpu.memref_slice %arg2[%reduce_sum3A_421, %dma_start3A_427] : memref<1000000x2xf32, #tpu.memory_space<hbm>> -> memref<1x2xf32, #tpu.memory_space<hbm>>
      %dma_start3A_429 = arith.constant 0 : i32
      %dma_start3A_430 = tpu.memref_slice %arg6[%add3A_425, %dma_start3A_429] : memref<512x2xf32, #tpu.memory_space<vmem>> -> memref<1x2xf32, #tpu.memory_space<vmem>>
      %dma_start3A_431 = arith.constant 0 : i32
      %dma_start3A_432 = tpu.memref_slice %arg2[%reduce_sum3A_421, %dma_start3A_431] : memref<1000000x2xf32, #tpu.memory_space<hbm>> -> memref<1x2xf32, #tpu.memory_space<hbm>>
      tpu.enqueue_dma source(%dma_start3A_432 : memref<1x2xf32, #tpu.memory_space<hbm>>) target(%dma_start3A_430 : memref<1x2xf32, #tpu.memory_space<vmem>>) target_semaphore(%arg9 : memref<!tpu.dma_semaphore, #tpu.memory_space<semaphore_mem>>)
      %eq3A_433 = arith.constant 1 : i32
      %eq3A_434 = vector.broadcast %eq3A_433 : i32 to vector<16xi32>
      %eq3A_435 = arith.cmpi eq, %iota3A, %eq3A_434 : vector<16xi32>
      %jit3A_436 = arith.constant 0 : i32
      %broadcast_in_dim3A_437 = vector.broadcast %jit3A_436 : i32 to vector<16xi32>
      %select_n3A_438 = arith.select %eq3A_435, %get3A_415, %broadcast_in_dim3A_437 : vector<16xi1>, vector<16xi32>
      %reduce_sum3A_439 = arith.constant true
      %reduce_sum3A_440 = vector.broadcast %reduce_sum3A_439 : i1 to vector<16xi1>
      %reduce_sum3A_441 = tpu.scan <sum>, %select_n3A_438 masked %reduce_sum3A_440 : vector<16xi32>, vector<16xi1> -> vector<16xi32>
      %reduce_sum3A_442 = vector.extract %reduce_sum3A_441[15] : i32 from vector<16xi32>
      %mul3A_443 = arith.constant 16 : i32
      %mul3A_444 = arith.muli %scan3A_412, %mul3A_443 : i32
      %add3A_445 = arith.constant 1 : i32
      %add3A_446 = arith.addi %mul3A_444, %add3A_445 : i32
      %dma_start3A_447 = arith.constant 0 : i32
      %dma_start3A_448 = tpu.memref_slice %arg6[%add3A_446, %dma_start3A_447] : memref<512x2xf32, #tpu.memory_space<vmem>> -> memref<1x2xf32, #tpu.memory_space<vmem>>
      %dma_start3A_449 = arith.constant 0 : i32
      %dma_start3A_450 = tpu.memref_slice %arg2[%reduce_sum3A_442, %dma_start3A_449] : memref<1000000x2xf32, #tpu.memory_space<hbm>> -> memref<1x2xf32, #tpu.memory_space<hbm>>
      %dma_start3A_451 = arith.constant 0 : i32
      %dma_start3A_452 = tpu.memref_slice %arg6[%add3A_446, %dma_start3A_451] : memref<512x2xf32, #tpu.memory_space<vmem>> -> memref<1x2xf32, #tpu.memory_space<vmem>>
      %dma_start3A_453 = arith.constant 0 : i32
      %dma_start3A_454 = tpu.memref_slice %arg2[%reduce_sum3A_442, %dma_start3A_453] : memref<1000000x2xf32, #tpu.memory_space<hbm>> -> memref<1x2xf32, #tpu.memory_space<hbm>>
      tpu.enqueue_dma source(%dma_start3A_454 : memref<1x2xf32, #tpu.memory_space<hbm>>) target(%dma_start3A_452 : memref<1x2xf32, #tpu.memory_space<vmem>>) target_semaphore(%arg9 : memref<!tpu.dma_semaphore, #tpu.memory_space<semaphore_mem>>)
      %eq3A_455 = arith.constant 2 : i32
      %eq3A_456 = vector.broadcast %eq3A_455 : i32 to vector<16xi32>
      %eq3A_457 = arith.cmpi eq, %iota3A, %eq3A_456 : vector<16xi32>
      %jit3A_458 = arith.constant 0 : i32
      %broadcast_in_dim3A_459 = vector.broadcast %jit3A_458 : i32 to vector<16xi32>
      %select_n3A_460 = arith.select %eq3A_457, %get3A_415, %broadcast_in_dim3A_459 : vector<16xi1>, vector<16xi32>
      %reduce_sum3A_461 = arith.constant true
      %reduce_sum3A_462 = vector.broadcast %reduce_sum3A_461 : i1 to vector<16xi1>
      %reduce_sum3A_463 = tpu.scan <sum>, %select_n3A_460 masked %reduce_sum3A_462 : vector<16xi32>, vector<16xi1> -> vector<16xi32>
      %reduce_sum3A_464 = vector.extract %reduce_sum3A_463[15] : i32 from vector<16xi32>
      %mul3A_465 = arith.constant 16 : i32
      %mul3A_466 = arith.muli %scan3A_412, %mul3A_465 : i32
      %add3A_467 = arith.constant 2 : i32
      %add3A_468 = arith.addi %mul3A_466, %add3A_467 : i32
      %dma_start3A_469 = arith.constant 0 : i32
      %dma_start3A_470 = tpu.memref_slice %arg6[%add3A_468, %dma_start3A_469] : memref<512x2xf32, #tpu.memory_space<vmem>> -> memref<1x2xf32, #tpu.memory_space<vmem>>
      %dma_start3A_471 = arith.constant 0 : i32
      %dma_start3A_472 = tpu.memref_slice %arg2[%reduce_sum3A_464, %dma_start3A_471] : memref<1000000x2xf32, #tpu.memory_space<hbm>> -> memref<1x2xf32, #tpu.memory_space<hbm>>
      %dma_start3A_473 = arith.constant 0 : i32
      %dma_start3A_474 = tpu.memref_slice %arg6[%add3A_468, %dma_start3A_473] : memref<512x2xf32, #tpu.memory_space<vmem>> -> memref<1x2xf32, #tpu.memory_space<vmem>>
      %dma_start3A_475 = arith.constant 0 : i32
      %dma_start3A_476 = tpu.memref_slice %arg2[%reduce_sum3A_464, %dma_start3A_475] : memref<1000000x2xf32, #tpu.memory_space<hbm>> -> memref<1x2xf32, #tpu.memory_space<hbm>>
      tpu.enqueue_dma source(%dma_start3A_476 : memref<1x2xf32, #tpu.memory_space<hbm>>) target(%dma_start3A_474 : memref<1x2xf32, #tpu.memory_space<vmem>>) target_semaphore(%arg9 : memref<!tpu.dma_semaphore, #tpu.memory_space<semaphore_mem>>)
      %eq3A_477 = arith.constant 3 : i32
      %eq3A_478 = vector.broadcast %eq3A_477 : i32 to vector<16xi32>
      %eq3A_479 = arith.cmpi eq, %iota3A, %eq3A_478 : vector<16xi32>
      %jit3A_480 = arith.constant 0 : i32
      %broadcast_in_dim3A_481 = vector.broadcast %jit3A_480 : i32 to vector<16xi32>
      %select_n3A_482 = arith.select %eq3A_479, %get3A_415, %broadcast_in_dim3A_481 : vector<16xi1>, vector<16xi32>
      %reduce_sum3A_483 = arith.constant true
      %reduce_sum3A_484 = vector.broadcast %reduce_sum3A_483 : i1 to vector<16xi1>
      %reduce_sum3A_485 = tpu.scan <sum>, %select_n3A_482 masked %reduce_sum3A_484 : vector<16xi32>, vector<16xi1> -> vector<16xi32>
      %reduce_sum3A_486 = vector.extract %reduce_sum3A_485[15] : i32 from vector<16xi32>
      %mul3A_487 = arith.constant 16 : i32
      %mul3A_488 = arith.muli %scan3A_412, %mul3A_487 : i32
      %add3A_489 = arith.constant 3 : i32
      %add3A_490 = arith.addi %mul3A_488, %add3A_489 : i32
      %dma_start3A_491 = arith.constant 0 : i32
      %dma_start3A_492 = tpu.memref_slice %arg6[%add3A_490, %dma_start3A_491] : memref<512x2xf32, #tpu.memory_space<vmem>> -> memref<1x2xf32, #tpu.memory_space<vmem>>
      %dma_start3A_493 = arith.constant 0 : i32
      %dma_start3A_494 = tpu.memref_slice %arg2[%reduce_sum3A_486, %dma_start3A_493] : memref<1000000x2xf32, #tpu.memory_space<hbm>> -> memref<1x2xf32, #tpu.memory_space<hbm>>
      %dma_start3A_495 = arith.constant 0 : i32
      %dma_start3A_496 = tpu.memref_slice %arg6[%add3A_490, %dma_start3A_495] : memref<512x2xf32, #tpu.memory_space<vmem>> -> memref<1x2xf32, #tpu.memory_space<vmem>>
      %dma_start3A_497 = arith.constant 0 : i32
      %dma_start3A_498 = tpu.memref_slice %arg2[%reduce_sum3A_486, %dma_start3A_497] : memref<1000000x2xf32, #tpu.memory_space<hbm>> -> memref<1x2xf32, #tpu.memory_space<hbm>>
      tpu.enqueue_dma source(%dma_start3A_498 : memref<1x2xf32, #tpu.memory_space<hbm>>) target(%dma_start3A_496 : memref<1x2xf32, #tpu.memory_space<vmem>>) target_semaphore(%arg9 : memref<!tpu.dma_semaphore, #tpu.memory_space<semaphore_mem>>)
      %eq3A_499 = arith.constant 4 : i32
      %eq3A_500 = vector.broadcast %eq3A_499 : i32 to vector<16xi32>
      %eq3A_501 = arith.cmpi eq, %iota3A, %eq3A_500 : vector<16xi32>
      %jit3A_502 = arith.constant 0 : i32
      %broadcast_in_dim3A_503 = vector.broadcast %jit3A_502 : i32 to vector<16xi32>
      %select_n3A_504 = arith.select %eq3A_501, %get3A_415, %broadcast_in_dim3A_503 : vector<16xi1>, vector<16xi32>
      %reduce_sum3A_505 = arith.constant true
      %reduce_sum3A_506 = vector.broadcast %reduce_sum3A_505 : i1 to vector<16xi1>
      %reduce_sum3A_507 = tpu.scan <sum>, %select_n3A_504 masked %reduce_sum3A_506 : vector<16xi32>, vector<16xi1> -> vector<16xi32>
      %reduce_sum3A_508 = vector.extract %reduce_sum3A_507[15] : i32 from vector<16xi32>
      %mul3A_509 = arith.constant 16 : i32
      %mul3A_510 = arith.muli %scan3A_412, %mul3A_509 : i32
      %add3A_511 = arith.constant 4 : i32
      %add3A_512 = arith.addi %mul3A_510, %add3A_511 : i32
      %dma_start3A_513 = arith.constant 0 : i32
      %dma_start3A_514 = tpu.memref_slice %arg6[%add3A_512, %dma_start3A_513] : memref<512x2xf32, #tpu.memory_space<vmem>> -> memref<1x2xf32, #tpu.memory_space<vmem>>
      %dma_start3A_515 = arith.constant 0 : i32
      %dma_start3A_516 = tpu.memref_slice %arg2[%reduce_sum3A_508, %dma_start3A_515] : memref<1000000x2xf32, #tpu.memory_space<hbm>> -> memref<1x2xf32, #tpu.memory_space<hbm>>
      %dma_start3A_517 = arith.constant 0 : i32
      %dma_start3A_518 = tpu.memref_slice %arg6[%add3A_512, %dma_start3A_517] : memref<512x2xf32, #tpu.memory_space<vmem>> -> memref<1x2xf32, #tpu.memory_space<vmem>>
      %dma_start3A_519 = arith.constant 0 : i32
      %dma_start3A_520 = tpu.memref_slice %arg2[%reduce_sum3A_508, %dma_start3A_519] : memref<1000000x2xf32, #tpu.memory_space<hbm>> -> memref<1x2xf32, #tpu.memory_space<hbm>>
      tpu.enqueue_dma source(%dma_start3A_520 : memref<1x2xf32, #tpu.memory_space<hbm>>) target(%dma_start3A_518 : memref<1x2xf32, #tpu.memory_space<vmem>>) target_semaphore(%arg9 : memref<!tpu.dma_semaphore, #tpu.memory_space<semaphore_mem>>)
      %eq3A_521 = arith.constant 5 : i32
      %eq3A_522 = vector.broadcast %eq3A_521 : i32 to vector<16xi32>
      %eq3A_523 = arith.cmpi eq, %iota3A, %eq3A_522 : vector<16xi32>
      %jit3A_524 = arith.constant 0 : i32
      %broadcast_in_dim3A_525 = vector.broadcast %jit3A_524 : i32 to vector<16xi32>
      %select_n3A_526 = arith.select %eq3A_523, %get3A_415, %broadcast_in_dim3A_525 : vector<16xi1>, vector<16xi32>
      %reduce_sum3A_527 = arith.constant true
      %reduce_sum3A_528 = vector.broadcast %reduce_sum3A_527 : i1 to vector<16xi1>
      %reduce_sum3A_529 = tpu.scan <sum>, %select_n3A_526 masked %reduce_sum3A_528 : vector<16xi32>, vector<16xi1> -> vector<16xi32>
      %reduce_sum3A_530 = vector.extract %reduce_sum3A_529[15] : i32 from vector<16xi32>
      %mul3A_531 = arith.constant 16 : i32
      %mul3A_532 = arith.muli %scan3A_412, %mul3A_531 : i32
      %add3A_533 = arith.constant 5 : i32
      %add3A_534 = arith.addi %mul3A_532, %add3A_533 : i32
      %dma_start3A_535 = arith.constant 0 : i32
      %dma_start3A_536 = tpu.memref_slice %arg6[%add3A_534, %dma_start3A_535] : memref<512x2xf32, #tpu.memory_space<vmem>> -> memref<1x2xf32, #tpu.memory_space<vmem>>
      %dma_start3A_537 = arith.constant 0 : i32
      %dma_start3A_538 = tpu.memref_slice %arg2[%reduce_sum3A_530, %dma_start3A_537] : memref<1000000x2xf32, #tpu.memory_space<hbm>> -> memref<1x2xf32, #tpu.memory_space<hbm>>
      %dma_start3A_539 = arith.constant 0 : i32
      %dma_start3A_540 = tpu.memref_slice %arg6[%add3A_534, %dma_start3A_539] : memref<512x2xf32, #tpu.memory_space<vmem>> -> memref<1x2xf32, #tpu.memory_space<vmem>>
      %dma_start3A_541 = arith.constant 0 : i32
      %dma_start3A_542 = tpu.memref_slice %arg2[%reduce_sum3A_530, %dma_start3A_541] : memref<1000000x2xf32, #tpu.memory_space<hbm>> -> memref<1x2xf32, #tpu.memory_space<hbm>>
      tpu.enqueue_dma source(%dma_start3A_542 : memref<1x2xf32, #tpu.memory_space<hbm>>) target(%dma_start3A_540 : memref<1x2xf32, #tpu.memory_space<vmem>>) target_semaphore(%arg9 : memref<!tpu.dma_semaphore, #tpu.memory_space<semaphore_mem>>)
      %eq3A_543 = arith.constant 6 : i32
      %eq3A_544 = vector.broadcast %eq3A_543 : i32 to vector<16xi32>
      %eq3A_545 = arith.cmpi eq, %iota3A, %eq3A_544 : vector<16xi32>
      %jit3A_546 = arith.constant 0 : i32
      %broadcast_in_dim3A_547 = vector.broadcast %jit3A_546 : i32 to vector<16xi32>
      %select_n3A_548 = arith.select %eq3A_545, %get3A_415, %broadcast_in_dim3A_547 : vector<16xi1>, vector<16xi32>
      %reduce_sum3A_549 = arith.constant true
      %reduce_sum3A_550 = vector.broadcast %reduce_sum3A_549 : i1 to vector<16xi1>
      %reduce_sum3A_551 = tpu.scan <sum>, %select_n3A_548 masked %reduce_sum3A_550 : vector<16xi32>, vector<16xi1> -> vector<16xi32>
      %reduce_sum3A_552 = vector.extract %reduce_sum3A_551[15] : i32 from vector<16xi32>
      %mul3A_553 = arith.constant 16 : i32
      %mul3A_554 = arith.muli %scan3A_412, %mul3A_553 : i32
      %add3A_555 = arith.constant 6 : i32
      %add3A_556 = arith.addi %mul3A_554, %add3A_555 : i32
      %dma_start3A_557 = arith.constant 0 : i32
      %dma_start3A_558 = tpu.memref_slice %arg6[%add3A_556, %dma_start3A_557] : memref<512x2xf32, #tpu.memory_space<vmem>> -> memref<1x2xf32, #tpu.memory_space<vmem>>
      %dma_start3A_559 = arith.constant 0 : i32
      %dma_start3A_560 = tpu.memref_slice %arg2[%reduce_sum3A_552, %dma_start3A_559] : memref<1000000x2xf32, #tpu.memory_space<hbm>> -> memref<1x2xf32, #tpu.memory_space<hbm>>
      %dma_start3A_561 = arith.constant 0 : i32
      %dma_start3A_562 = tpu.memref_slice %arg6[%add3A_556, %dma_start3A_561] : memref<512x2xf32, #tpu.memory_space<vmem>> -> memref<1x2xf32, #tpu.memory_space<vmem>>
      %dma_start3A_563 = arith.constant 0 : i32
      %dma_start3A_564 = tpu.memref_slice %arg2[%reduce_sum3A_552, %dma_start3A_563] : memref<1000000x2xf32, #tpu.memory_space<hbm>> -> memref<1x2xf32, #tpu.memory_space<hbm>>
      tpu.enqueue_dma source(%dma_start3A_564 : memref<1x2xf32, #tpu.memory_space<hbm>>) target(%dma_start3A_562 : memref<1x2xf32, #tpu.memory_space<vmem>>) target_semaphore(%arg9 : memref<!tpu.dma_semaphore, #tpu.memory_space<semaphore_mem>>)
      %eq3A_565 = arith.constant 7 : i32
      %eq3A_566 = vector.broadcast %eq3A_565 : i32 to vector<16xi32>
      %eq3A_567 = arith.cmpi eq, %iota3A, %eq3A_566 : vector<16xi32>
      %jit3A_568 = arith.constant 0 : i32
      %broadcast_in_dim3A_569 = vector.broadcast %jit3A_568 : i32 to vector<16xi32>
      %select_n3A_570 = arith.select %eq3A_567, %get3A_415, %broadcast_in_dim3A_569 : vector<16xi1>, vector<16xi32>
      %reduce_sum3A_571 = arith.constant true
      %reduce_sum3A_572 = vector.broadcast %reduce_sum3A_571 : i1 to vector<16xi1>
      %reduce_sum3A_573 = tpu.scan <sum>, %select_n3A_570 masked %reduce_sum3A_572 : vector<16xi32>, vector<16xi1> -> vector<16xi32>
      %reduce_sum3A_574 = vector.extract %reduce_sum3A_573[15] : i32 from vector<16xi32>
      %mul3A_575 = arith.constant 16 : i32
      %mul3A_576 = arith.muli %scan3A_412, %mul3A_575 : i32
      %add3A_577 = arith.constant 7 : i32
      %add3A_578 = arith.addi %mul3A_576, %add3A_577 : i32
      %dma_start3A_579 = arith.constant 0 : i32
      %dma_start3A_580 = tpu.memref_slice %arg6[%add3A_578, %dma_start3A_579] : memref<512x2xf32, #tpu.memory_space<vmem>> -> memref<1x2xf32, #tpu.memory_space<vmem>>
      %dma_start3A_581 = arith.constant 0 : i32
      %dma_start3A_582 = tpu.memref_slice %arg2[%reduce_sum3A_574, %dma_start3A_581] : memref<1000000x2xf32, #tpu.memory_space<hbm>> -> memref<1x2xf32, #tpu.memory_space<hbm>>
      %dma_start3A_583 = arith.constant 0 : i32
      %dma_start3A_584 = tpu.memref_slice %arg6[%add3A_578, %dma_start3A_583] : memref<512x2xf32, #tpu.memory_space<vmem>> -> memref<1x2xf32, #tpu.memory_space<vmem>>
      %dma_start3A_585 = arith.constant 0 : i32
      %dma_start3A_586 = tpu.memref_slice %arg2[%reduce_sum3A_574, %dma_start3A_585] : memref<1000000x2xf32, #tpu.memory_space<hbm>> -> memref<1x2xf32, #tpu.memory_space<hbm>>
      tpu.enqueue_dma source(%dma_start3A_586 : memref<1x2xf32, #tpu.memory_space<hbm>>) target(%dma_start3A_584 : memref<1x2xf32, #tpu.memory_space<vmem>>) target_semaphore(%arg9 : memref<!tpu.dma_semaphore, #tpu.memory_space<semaphore_mem>>)
      %eq3A_587 = arith.constant 8 : i32
      %eq3A_588 = vector.broadcast %eq3A_587 : i32 to vector<16xi32>
      %eq3A_589 = arith.cmpi eq, %iota3A, %eq3A_588 : vector<16xi32>
      %jit3A_590 = arith.constant 0 : i32
      %broadcast_in_dim3A_591 = vector.broadcast %jit3A_590 : i32 to vector<16xi32>
      %select_n3A_592 = arith.select %eq3A_589, %get3A_415, %broadcast_in_dim3A_591 : vector<16xi1>, vector<16xi32>
      %reduce_sum3A_593 = arith.constant true
      %reduce_sum3A_594 = vector.broadcast %reduce_sum3A_593 : i1 to vector<16xi1>
      %reduce_sum3A_595 = tpu.scan <sum>, %select_n3A_592 masked %reduce_sum3A_594 : vector<16xi32>, vector<16xi1> -> vector<16xi32>
      %reduce_sum3A_596 = vector.extract %reduce_sum3A_595[15] : i32 from vector<16xi32>
      %mul3A_597 = arith.constant 16 : i32
      %mul3A_598 = arith.muli %scan3A_412, %mul3A_597 : i32
      %add3A_599 = arith.constant 8 : i32
      %add3A_600 = arith.addi %mul3A_598, %add3A_599 : i32
      %dma_start3A_601 = arith.constant 0 : i32
      %dma_start3A_602 = tpu.memref_slice %arg6[%add3A_600, %dma_start3A_601] : memref<512x2xf32, #tpu.memory_space<vmem>> -> memref<1x2xf32, #tpu.memory_space<vmem>>
      %dma_start3A_603 = arith.constant 0 : i32
      %dma_start3A_604 = tpu.memref_slice %arg2[%reduce_sum3A_596, %dma_start3A_603] : memref<1000000x2xf32, #tpu.memory_space<hbm>> -> memref<1x2xf32, #tpu.memory_space<hbm>>
      %dma_start3A_605 = arith.constant 0 : i32
      %dma_start3A_606 = tpu.memref_slice %arg6[%add3A_600, %dma_start3A_605] : memref<512x2xf32, #tpu.memory_space<vmem>> -> memref<1x2xf32, #tpu.memory_space<vmem>>
      %dma_start3A_607 = arith.constant 0 : i32
      %dma_start3A_608 = tpu.memref_slice %arg2[%reduce_sum3A_596, %dma_start3A_607] : memref<1000000x2xf32, #tpu.memory_space<hbm>> -> memref<1x2xf32, #tpu.memory_space<hbm>>
      tpu.enqueue_dma source(%dma_start3A_608 : memref<1x2xf32, #tpu.memory_space<hbm>>) target(%dma_start3A_606 : memref<1x2xf32, #tpu.memory_space<vmem>>) target_semaphore(%arg9 : memref<!tpu.dma_semaphore, #tpu.memory_space<semaphore_mem>>)
      %eq3A_609 = arith.constant 9 : i32
      %eq3A_610 = vector.broadcast %eq3A_609 : i32 to vector<16xi32>
      %eq3A_611 = arith.cmpi eq, %iota3A, %eq3A_610 : vector<16xi32>
      %jit3A_612 = arith.constant 0 : i32
      %broadcast_in_dim3A_613 = vector.broadcast %jit3A_612 : i32 to vector<16xi32>
      %select_n3A_614 = arith.select %eq3A_611, %get3A_415, %broadcast_in_dim3A_613 : vector<16xi1>, vector<16xi32>
      %reduce_sum3A_615 = arith.constant true
      %reduce_sum3A_616 = vector.broadcast %reduce_sum3A_615 : i1 to vector<16xi1>
      %reduce_sum3A_617 = tpu.scan <sum>, %select_n3A_614 masked %reduce_sum3A_616 : vector<16xi32>, vector<16xi1> -> vector<16xi32>
      %reduce_sum3A_618 = vector.extract %reduce_sum3A_617[15] : i32 from vector<16xi32>
      %mul3A_619 = arith.constant 16 : i32
      %mul3A_620 = arith.muli %scan3A_412, %mul3A_619 : i32
      %add3A_621 = arith.constant 9 : i32
      %add3A_622 = arith.addi %mul3A_620, %add3A_621 : i32
      %dma_start3A_623 = arith.constant 0 : i32
      %dma_start3A_624 = tpu.memref_slice %arg6[%add3A_622, %dma_start3A_623] : memref<512x2xf32, #tpu.memory_space<vmem>> -> memref<1x2xf32, #tpu.memory_space<vmem>>
      %dma_start3A_625 = arith.constant 0 : i32
      %dma_start3A_626 = tpu.memref_slice %arg2[%reduce_sum3A_618, %dma_start3A_625] : memref<1000000x2xf32, #tpu.memory_space<hbm>> -> memref<1x2xf32, #tpu.memory_space<hbm>>
      %dma_start3A_627 = arith.constant 0 : i32
      %dma_start3A_628 = tpu.memref_slice %arg6[%add3A_622, %dma_start3A_627] : memref<512x2xf32, #tpu.memory_space<vmem>> -> memref<1x2xf32, #tpu.memory_space<vmem>>
      %dma_start3A_629 = arith.constant 0 : i32
      %dma_start3A_630 = tpu.memref_slice %arg2[%reduce_sum3A_618, %dma_start3A_629] : memref<1000000x2xf32, #tpu.memory_space<hbm>> -> memref<1x2xf32, #tpu.memory_space<hbm>>
      tpu.enqueue_dma source(%dma_start3A_630 : memref<1x2xf32, #tpu.memory_space<hbm>>) target(%dma_start3A_628 : memref<1x2xf32, #tpu.memory_space<vmem>>) target_semaphore(%arg9 : memref<!tpu.dma_semaphore, #tpu.memory_space<semaphore_mem>>)
      %eq3A_631 = arith.constant 10 : i32
      %eq3A_632 = vector.broadcast %eq3A_631 : i32 to vector<16xi32>
      %eq3A_633 = arith.cmpi eq, %iota3A, %eq3A_632 : vector<16xi32>
      %jit3A_634 = arith.constant 0 : i32
      %broadcast_in_dim3A_635 = vector.broadcast %jit3A_634 : i32 to vector<16xi32>
      %select_n3A_636 = arith.select %eq3A_633, %get3A_415, %broadcast_in_dim3A_635 : vector<16xi1>, vector<16xi32>
      %reduce_sum3A_637 = arith.constant true
      %reduce_sum3A_638 = vector.broadcast %reduce_sum3A_637 : i1 to vector<16xi1>
      %reduce_sum3A_639 = tpu.scan <sum>, %select_n3A_636 masked %reduce_sum3A_638 : vector<16xi32>, vector<16xi1> -> vector<16xi32>
      %reduce_sum3A_640 = vector.extract %reduce_sum3A_639[15] : i32 from vector<16xi32>
      %mul3A_641 = arith.constant 16 : i32
      %mul3A_642 = arith.muli %scan3A_412, %mul3A_641 : i32
      %add3A_643 = arith.constant 10 : i32
      %add3A_644 = arith.addi %mul3A_642, %add3A_643 : i32
      %dma_start3A_645 = arith.constant 0 : i32
      %dma_start3A_646 = tpu.memref_slice %arg6[%add3A_644, %dma_start3A_645] : memref<512x2xf32, #tpu.memory_space<vmem>> -> memref<1x2xf32, #tpu.memory_space<vmem>>
      %dma_start3A_647 = arith.constant 0 : i32
      %dma_start3A_648 = tpu.memref_slice %arg2[%reduce_sum3A_640, %dma_start3A_647] : memref<1000000x2xf32, #tpu.memory_space<hbm>> -> memref<1x2xf32, #tpu.memory_space<hbm>>
      %dma_start3A_649 = arith.constant 0 : i32
      %dma_start3A_650 = tpu.memref_slice %arg6[%add3A_644, %dma_start3A_649] : memref<512x2xf32, #tpu.memory_space<vmem>> -> memref<1x2xf32, #tpu.memory_space<vmem>>
      %dma_start3A_651 = arith.constant 0 : i32
      %dma_start3A_652 = tpu.memref_slice %arg2[%reduce_sum3A_640, %dma_start3A_651] : memref<1000000x2xf32, #tpu.memory_space<hbm>> -> memref<1x2xf32, #tpu.memory_space<hbm>>
      tpu.enqueue_dma source(%dma_start3A_652 : memref<1x2xf32, #tpu.memory_space<hbm>>) target(%dma_start3A_650 : memref<1x2xf32, #tpu.memory_space<vmem>>) target_semaphore(%arg9 : memref<!tpu.dma_semaphore, #tpu.memory_space<semaphore_mem>>)
      %eq3A_653 = arith.constant 11 : i32
      %eq3A_654 = vector.broadcast %eq3A_653 : i32 to vector<16xi32>
      %eq3A_655 = arith.cmpi eq, %iota3A, %eq3A_654 : vector<16xi32>
      %jit3A_656 = arith.constant 0 : i32
      %broadcast_in_dim3A_657 = vector.broadcast %jit3A_656 : i32 to vector<16xi32>
      %select_n3A_658 = arith.select %eq3A_655, %get3A_415, %broadcast_in_dim3A_657 : vector<16xi1>, vector<16xi32>
      %reduce_sum3A_659 = arith.constant true
      %reduce_sum3A_660 = vector.broadcast %reduce_sum3A_659 : i1 to vector<16xi1>
      %reduce_sum3A_661 = tpu.scan <sum>, %select_n3A_658 masked %reduce_sum3A_660 : vector<16xi32>, vector<16xi1> -> vector<16xi32>
      %reduce_sum3A_662 = vector.extract %reduce_sum3A_661[15] : i32 from vector<16xi32>
      %mul3A_663 = arith.constant 16 : i32
      %mul3A_664 = arith.muli %scan3A_412, %mul3A_663 : i32
      %add3A_665 = arith.constant 11 : i32
      %add3A_666 = arith.addi %mul3A_664, %add3A_665 : i32
      %dma_start3A_667 = arith.constant 0 : i32
      %dma_start3A_668 = tpu.memref_slice %arg6[%add3A_666, %dma_start3A_667] : memref<512x2xf32, #tpu.memory_space<vmem>> -> memref<1x2xf32, #tpu.memory_space<vmem>>
      %dma_start3A_669 = arith.constant 0 : i32
      %dma_start3A_670 = tpu.memref_slice %arg2[%reduce_sum3A_662, %dma_start3A_669] : memref<1000000x2xf32, #tpu.memory_space<hbm>> -> memref<1x2xf32, #tpu.memory_space<hbm>>
      %dma_start3A_671 = arith.constant 0 : i32
      %dma_start3A_672 = tpu.memref_slice %arg6[%add3A_666, %dma_start3A_671] : memref<512x2xf32, #tpu.memory_space<vmem>> -> memref<1x2xf32, #tpu.memory_space<vmem>>
      %dma_start3A_673 = arith.constant 0 : i32
      %dma_start3A_674 = tpu.memref_slice %arg2[%reduce_sum3A_662, %dma_start3A_673] : memref<1000000x2xf32, #tpu.memory_space<hbm>> -> memref<1x2xf32, #tpu.memory_space<hbm>>
      tpu.enqueue_dma source(%dma_start3A_674 : memref<1x2xf32, #tpu.memory_space<hbm>>) target(%dma_start3A_672 : memref<1x2xf32, #tpu.memory_space<vmem>>) target_semaphore(%arg9 : memref<!tpu.dma_semaphore, #tpu.memory_space<semaphore_mem>>)
      %eq3A_675 = arith.constant 12 : i32
      %eq3A_676 = vector.broadcast %eq3A_675 : i32 to vector<16xi32>
      %eq3A_677 = arith.cmpi eq, %iota3A, %eq3A_676 : vector<16xi32>
      %jit3A_678 = arith.constant 0 : i32
      %broadcast_in_dim3A_679 = vector.broadcast %jit3A_678 : i32 to vector<16xi32>
      %select_n3A_680 = arith.select %eq3A_677, %get3A_415, %broadcast_in_dim3A_679 : vector<16xi1>, vector<16xi32>
      %reduce_sum3A_681 = arith.constant true
      %reduce_sum3A_682 = vector.broadcast %reduce_sum3A_681 : i1 to vector<16xi1>
      %reduce_sum3A_683 = tpu.scan <sum>, %select_n3A_680 masked %reduce_sum3A_682 : vector<16xi32>, vector<16xi1> -> vector<16xi32>
      %reduce_sum3A_684 = vector.extract %reduce_sum3A_683[15] : i32 from vector<16xi32>
      %mul3A_685 = arith.constant 16 : i32
      %mul3A_686 = arith.muli %scan3A_412, %mul3A_685 : i32
      %add3A_687 = arith.constant 12 : i32
      %add3A_688 = arith.addi %mul3A_686, %add3A_687 : i32
      %dma_start3A_689 = arith.constant 0 : i32
      %dma_start3A_690 = tpu.memref_slice %arg6[%add3A_688, %dma_start3A_689] : memref<512x2xf32, #tpu.memory_space<vmem>> -> memref<1x2xf32, #tpu.memory_space<vmem>>
      %dma_start3A_691 = arith.constant 0 : i32
      %dma_start3A_692 = tpu.memref_slice %arg2[%reduce_sum3A_684, %dma_start3A_691] : memref<1000000x2xf32, #tpu.memory_space<hbm>> -> memref<1x2xf32, #tpu.memory_space<hbm>>
      %dma_start3A_693 = arith.constant 0 : i32
      %dma_start3A_694 = tpu.memref_slice %arg6[%add3A_688, %dma_start3A_693] : memref<512x2xf32, #tpu.memory_space<vmem>> -> memref<1x2xf32, #tpu.memory_space<vmem>>
      %dma_start3A_695 = arith.constant 0 : i32
      %dma_start3A_696 = tpu.memref_slice %arg2[%reduce_sum3A_684, %dma_start3A_695] : memref<1000000x2xf32, #tpu.memory_space<hbm>> -> memref<1x2xf32, #tpu.memory_space<hbm>>
      tpu.enqueue_dma source(%dma_start3A_696 : memref<1x2xf32, #tpu.memory_space<hbm>>) target(%dma_start3A_694 : memref<1x2xf32, #tpu.memory_space<vmem>>) target_semaphore(%arg9 : memref<!tpu.dma_semaphore, #tpu.memory_space<semaphore_mem>>)
      %eq3A_697 = arith.constant 13 : i32
      %eq3A_698 = vector.broadcast %eq3A_697 : i32 to vector<16xi32>
      %eq3A_699 = arith.cmpi eq, %iota3A, %eq3A_698 : vector<16xi32>
      %jit3A_700 = arith.constant 0 : i32
      %broadcast_in_dim3A_701 = vector.broadcast %jit3A_700 : i32 to vector<16xi32>
      %select_n3A_702 = arith.select %eq3A_699, %get3A_415, %broadcast_in_dim3A_701 : vector<16xi1>, vector<16xi32>
      %reduce_sum3A_703 = arith.constant true
      %reduce_sum3A_704 = vector.broadcast %reduce_sum3A_703 : i1 to vector<16xi1>
      %reduce_sum3A_705 = tpu.scan <sum>, %select_n3A_702 masked %reduce_sum3A_704 : vector<16xi32>, vector<16xi1> -> vector<16xi32>
      %reduce_sum3A_706 = vector.extract %reduce_sum3A_705[15] : i32 from vector<16xi32>
      %mul3A_707 = arith.constant 16 : i32
      %mul3A_708 = arith.muli %scan3A_412, %mul3A_707 : i32
      %add3A_709 = arith.constant 13 : i32
      %add3A_710 = arith.addi %mul3A_708, %add3A_709 : i32
      %dma_start3A_711 = arith.constant 0 : i32
      %dma_start3A_712 = tpu.memref_slice %arg6[%add3A_710, %dma_start3A_711] : memref<512x2xf32, #tpu.memory_space<vmem>> -> memref<1x2xf32, #tpu.memory_space<vmem>>
      %dma_start3A_713 = arith.constant 0 : i32
      %dma_start3A_714 = tpu.memref_slice %arg2[%reduce_sum3A_706, %dma_start3A_713] : memref<1000000x2xf32, #tpu.memory_space<hbm>> -> memref<1x2xf32, #tpu.memory_space<hbm>>
      %dma_start3A_715 = arith.constant 0 : i32
      %dma_start3A_716 = tpu.memref_slice %arg6[%add3A_710, %dma_start3A_715] : memref<512x2xf32, #tpu.memory_space<vmem>> -> memref<1x2xf32, #tpu.memory_space<vmem>>
      %dma_start3A_717 = arith.constant 0 : i32
      %dma_start3A_718 = tpu.memref_slice %arg2[%reduce_sum3A_706, %dma_start3A_717] : memref<1000000x2xf32, #tpu.memory_space<hbm>> -> memref<1x2xf32, #tpu.memory_space<hbm>>
      tpu.enqueue_dma source(%dma_start3A_718 : memref<1x2xf32, #tpu.memory_space<hbm>>) target(%dma_start3A_716 : memref<1x2xf32, #tpu.memory_space<vmem>>) target_semaphore(%arg9 : memref<!tpu.dma_semaphore, #tpu.memory_space<semaphore_mem>>)
      %eq3A_719 = arith.constant 14 : i32
      %eq3A_720 = vector.broadcast %eq3A_719 : i32 to vector<16xi32>
      %eq3A_721 = arith.cmpi eq, %iota3A, %eq3A_720 : vector<16xi32>
      %jit3A_722 = arith.constant 0 : i32
      %broadcast_in_dim3A_723 = vector.broadcast %jit3A_722 : i32 to vector<16xi32>
      %select_n3A_724 = arith.select %eq3A_721, %get3A_415, %broadcast_in_dim3A_723 : vector<16xi1>, vector<16xi32>
      %reduce_sum3A_725 = arith.constant true
      %reduce_sum3A_726 = vector.broadcast %reduce_sum3A_725 : i1 to vector<16xi1>
      %reduce_sum3A_727 = tpu.scan <sum>, %select_n3A_724 masked %reduce_sum3A_726 : vector<16xi32>, vector<16xi1> -> vector<16xi32>
      %reduce_sum3A_728 = vector.extract %reduce_sum3A_727[15] : i32 from vector<16xi32>
      %mul3A_729 = arith.constant 16 : i32
      %mul3A_730 = arith.muli %scan3A_412, %mul3A_729 : i32
      %add3A_731 = arith.constant 14 : i32
      %add3A_732 = arith.addi %mul3A_730, %add3A_731 : i32
      %dma_start3A_733 = arith.constant 0 : i32
      %dma_start3A_734 = tpu.memref_slice %arg6[%add3A_732, %dma_start3A_733] : memref<512x2xf32, #tpu.memory_space<vmem>> -> memref<1x2xf32, #tpu.memory_space<vmem>>
      %dma_start3A_735 = arith.constant 0 : i32
      %dma_start3A_736 = tpu.memref_slice %arg2[%reduce_sum3A_728, %dma_start3A_735] : memref<1000000x2xf32, #tpu.memory_space<hbm>> -> memref<1x2xf32, #tpu.memory_space<hbm>>
      %dma_start3A_737 = arith.constant 0 : i32
      %dma_start3A_738 = tpu.memref_slice %arg6[%add3A_732, %dma_start3A_737] : memref<512x2xf32, #tpu.memory_space<vmem>> -> memref<1x2xf32, #tpu.memory_space<vmem>>
      %dma_start3A_739 = arith.constant 0 : i32
      %dma_start3A_740 = tpu.memref_slice %arg2[%reduce_sum3A_728, %dma_start3A_739] : memref<1000000x2xf32, #tpu.memory_space<hbm>> -> memref<1x2xf32, #tpu.memory_space<hbm>>
      tpu.enqueue_dma source(%dma_start3A_740 : memref<1x2xf32, #tpu.memory_space<hbm>>) target(%dma_start3A_738 : memref<1x2xf32, #tpu.memory_space<vmem>>) target_semaphore(%arg9 : memref<!tpu.dma_semaphore, #tpu.memory_space<semaphore_mem>>)
      %eq3A_741 = arith.constant 15 : i32
      %eq3A_742 = vector.broadcast %eq3A_741 : i32 to vector<16xi32>
      %eq3A_743 = arith.cmpi eq, %iota3A, %eq3A_742 : vector<16xi32>
      %jit3A_744 = arith.constant 0 : i32
      %broadcast_in_dim3A_745 = vector.broadcast %jit3A_744 : i32 to vector<16xi32>
      %select_n3A_746 = arith.select %eq3A_743, %get3A_415, %broadcast_in_dim3A_745 : vector<16xi1>, vector<16xi32>
      %reduce_sum3A_747 = arith.constant true
      %reduce_sum3A_748 = vector.broadcast %reduce_sum3A_747 : i1 to vector<16xi1>
      %reduce_sum3A_749 = tpu.scan <sum>, %select_n3A_746 masked %reduce_sum3A_748 : vector<16xi32>, vector<16xi1> -> vector<16xi32>
      %reduce_sum3A_750 = vector.extract %reduce_sum3A_749[15] : i32 from vector<16xi32>
      %mul3A_751 = arith.constant 16 : i32
      %mul3A_752 = arith.muli %scan3A_412, %mul3A_751 : i32
      %add3A_753 = arith.constant 15 : i32
      %add3A_754 = arith.addi %mul3A_752, %add3A_753 : i32
      %dma_start3A_755 = arith.constant 0 : i32
      %dma_start3A_756 = tpu.memref_slice %arg6[%add3A_754, %dma_start3A_755] : memref<512x2xf32, #tpu.memory_space<vmem>> -> memref<1x2xf32, #tpu.memory_space<vmem>>
      %dma_start3A_757 = arith.constant 0 : i32
      %dma_start3A_758 = tpu.memref_slice %arg2[%reduce_sum3A_750, %dma_start3A_757] : memref<1000000x2xf32, #tpu.memory_space<hbm>> -> memref<1x2xf32, #tpu.memory_space<hbm>>
      %dma_start3A_759 = arith.constant 0 : i32
      %dma_start3A_760 = tpu.memref_slice %arg6[%add3A_754, %dma_start3A_759] : memref<512x2xf32, #tpu.memory_space<vmem>> -> memref<1x2xf32, #tpu.memory_space<vmem>>
      %dma_start3A_761 = arith.constant 0 : i32
      %dma_start3A_762 = tpu.memref_slice %arg2[%reduce_sum3A_750, %dma_start3A_761] : memref<1000000x2xf32, #tpu.memory_space<hbm>> -> memref<1x2xf32, #tpu.memory_space<hbm>>
      tpu.enqueue_dma source(%dma_start3A_762 : memref<1x2xf32, #tpu.memory_space<hbm>>) target(%dma_start3A_760 : memref<1x2xf32, #tpu.memory_space<vmem>>) target_semaphore(%arg9 : memref<!tpu.dma_semaphore, #tpu.memory_space<semaphore_mem>>)
      %gt3A = arith.constant 1 : i32
      %gt3A_763 = arith.cmpi sgt, %scan3A_412, %gt3A : i32
      %convert_element_type3A = arith.extui %gt3A_763 : i1 to i32
      %cond3A = arith.constant 0 : i32
      %cond3A_764 = arith.cmpi ne, %convert_element_type3A, %cond3A : i32
      scf.if %cond3A_764 {
        %sub3A = arith.constant 2 : i32
        %sub3A_765 = arith.subi %scan3A_412, %sub3A : i32
        %mul3A_766 = arith.constant 16 : i32
        %mul3A_767 = arith.muli %sub3A_765, %mul3A_766 : i32
        %add3A_768 = arith.constant 0 : i32
        %add3A_769 = arith.addi %mul3A_767, %add3A_768 : i32
        %dma_wait3A_770 = arith.constant 0 : i32
        %dma_wait3A_771 = tpu.memref_slice %arg6[%add3A_769, %dma_wait3A_770] : memref<512x2xf32, #tpu.memory_space<vmem>> -> memref<1x2xf32, #tpu.memory_space<vmem>>
        %dma_wait3A_772 = arith.constant 0 : i32
        %dma_wait3A_773 = arith.constant 0 : i32
        %dma_wait3A_774 = tpu.memref_slice %arg2[%dma_wait3A_772, %dma_wait3A_773] : memref<1000000x2xf32, #tpu.memory_space<hbm>> -> memref<1x2xf32, #tpu.memory_space<hbm>>
        %dma_wait3A_775 = arith.constant 0 : i32
        %dma_wait3A_776 = tpu.memref_slice %arg6[%add3A_769, %dma_wait3A_775] : memref<512x2xf32, #tpu.memory_space<vmem>> -> memref<1x2xf32, #tpu.memory_space<vmem>>
        %dma_wait3A_777 = arith.constant 0 : i32
        %dma_wait3A_778 = arith.constant 0 : i32
        %dma_wait3A_779 = tpu.memref_slice %arg2[%dma_wait3A_777, %dma_wait3A_778] : memref<1000000x2xf32, #tpu.memory_space<hbm>> -> memref<1x2xf32, #tpu.memory_space<hbm>>
        tpu.wait_dma2 semaphore(%arg9 : memref<!tpu.dma_semaphore, #tpu.memory_space<semaphore_mem>>) src(%dma_wait3A_779 : memref<1x2xf32, #tpu.memory_space<hbm>>) dst(%dma_wait3A_776 : memref<1x2xf32, #tpu.memory_space<vmem>>)
        %mul3A_780 = arith.constant 16 : i32
        %mul3A_781 = arith.muli %sub3A_765, %mul3A_780 : i32
        %add3A_782 = arith.constant 1 : i32
        %add3A_783 = arith.addi %mul3A_781, %add3A_782 : i32
        %dma_wait3A_784 = arith.constant 0 : i32
        %dma_wait3A_785 = tpu.memref_slice %arg6[%add3A_783, %dma_wait3A_784] : memref<512x2xf32, #tpu.memory_space<vmem>> -> memref<1x2xf32, #tpu.memory_space<vmem>>
        %dma_wait3A_786 = arith.constant 0 : i32
        %dma_wait3A_787 = arith.constant 0 : i32
        %dma_wait3A_788 = tpu.memref_slice %arg2[%dma_wait3A_786, %dma_wait3A_787] : memref<1000000x2xf32, #tpu.memory_space<hbm>> -> memref<1x2xf32, #tpu.memory_space<hbm>>
        %dma_wait3A_789 = arith.constant 0 : i32
        %dma_wait3A_790 = tpu.memref_slice %arg6[%add3A_783, %dma_wait3A_789] : memref<512x2xf32, #tpu.memory_space<vmem>> -> memref<1x2xf32, #tpu.memory_space<vmem>>
        %dma_wait3A_791 = arith.constant 0 : i32
        %dma_wait3A_792 = arith.constant 0 : i32
        %dma_wait3A_793 = tpu.memref_slice %arg2[%dma_wait3A_791, %dma_wait3A_792] : memref<1000000x2xf32, #tpu.memory_space<hbm>> -> memref<1x2xf32, #tpu.memory_space<hbm>>
        tpu.wait_dma2 semaphore(%arg9 : memref<!tpu.dma_semaphore, #tpu.memory_space<semaphore_mem>>) src(%dma_wait3A_793 : memref<1x2xf32, #tpu.memory_space<hbm>>) dst(%dma_wait3A_790 : memref<1x2xf32, #tpu.memory_space<vmem>>)
        %mul3A_794 = arith.constant 16 : i32
        %mul3A_795 = arith.muli %sub3A_765, %mul3A_794 : i32
        %add3A_796 = arith.constant 2 : i32
        %add3A_797 = arith.addi %mul3A_795, %add3A_796 : i32
        %dma_wait3A_798 = arith.constant 0 : i32
        %dma_wait3A_799 = tpu.memref_slice %arg6[%add3A_797, %dma_wait3A_798] : memref<512x2xf32, #tpu.memory_space<vmem>> -> memref<1x2xf32, #tpu.memory_space<vmem>>
        %dma_wait3A_800 = arith.constant 0 : i32
        %dma_wait3A_801 = arith.constant 0 : i32
        %dma_wait3A_802 = tpu.memref_slice %arg2[%dma_wait3A_800, %dma_wait3A_801] : memref<1000000x2xf32, #tpu.memory_space<hbm>> -> memref<1x2xf32, #tpu.memory_space<hbm>>
        %dma_wait3A_803 = arith.constant 0 : i32
        %dma_wait3A_804 = tpu.memref_slice %arg6[%add3A_797, %dma_wait3A_803] : memref<512x2xf32, #tpu.memory_space<vmem>> -> memref<1x2xf32, #tpu.memory_space<vmem>>
        %dma_wait3A_805 = arith.constant 0 : i32
        %dma_wait3A_806 = arith.constant 0 : i32
        %dma_wait3A_807 = tpu.memref_slice %arg2[%dma_wait3A_805, %dma_wait3A_806] : memref<1000000x2xf32, #tpu.memory_space<hbm>> -> memref<1x2xf32, #tpu.memory_space<hbm>>
        tpu.wait_dma2 semaphore(%arg9 : memref<!tpu.dma_semaphore, #tpu.memory_space<semaphore_mem>>) src(%dma_wait3A_807 : memref<1x2xf32, #tpu.memory_space<hbm>>) dst(%dma_wait3A_804 : memref<1x2xf32, #tpu.memory_space<vmem>>)
        %mul3A_808 = arith.constant 16 : i32
        %mul3A_809 = arith.muli %sub3A_765, %mul3A_808 : i32
        %add3A_810 = arith.constant 3 : i32
        %add3A_811 = arith.addi %mul3A_809, %add3A_810 : i32
        %dma_wait3A_812 = arith.constant 0 : i32
        %dma_wait3A_813 = tpu.memref_slice %arg6[%add3A_811, %dma_wait3A_812] : memref<512x2xf32, #tpu.memory_space<vmem>> -> memref<1x2xf32, #tpu.memory_space<vmem>>
        %dma_wait3A_814 = arith.constant 0 : i32
        %dma_wait3A_815 = arith.constant 0 : i32
        %dma_wait3A_816 = tpu.memref_slice %arg2[%dma_wait3A_814, %dma_wait3A_815] : memref<1000000x2xf32, #tpu.memory_space<hbm>> -> memref<1x2xf32, #tpu.memory_space<hbm>>
        %dma_wait3A_817 = arith.constant 0 : i32
        %dma_wait3A_818 = tpu.memref_slice %arg6[%add3A_811, %dma_wait3A_817] : memref<512x2xf32, #tpu.memory_space<vmem>> -> memref<1x2xf32, #tpu.memory_space<vmem>>
        %dma_wait3A_819 = arith.constant 0 : i32
        %dma_wait3A_820 = arith.constant 0 : i32
        %dma_wait3A_821 = tpu.memref_slice %arg2[%dma_wait3A_819, %dma_wait3A_820] : memref<1000000x2xf32, #tpu.memory_space<hbm>> -> memref<1x2xf32, #tpu.memory_space<hbm>>
        tpu.wait_dma2 semaphore(%arg9 : memref<!tpu.dma_semaphore, #tpu.memory_space<semaphore_mem>>) src(%dma_wait3A_821 : memref<1x2xf32, #tpu.memory_space<hbm>>) dst(%dma_wait3A_818 : memref<1x2xf32, #tpu.memory_space<vmem>>)
        %mul3A_822 = arith.constant 16 : i32
        %mul3A_823 = arith.muli %sub3A_765, %mul3A_822 : i32
        %add3A_824 = arith.constant 4 : i32
        %add3A_825 = arith.addi %mul3A_823, %add3A_824 : i32
        %dma_wait3A_826 = arith.constant 0 : i32
        %dma_wait3A_827 = tpu.memref_slice %arg6[%add3A_825, %dma_wait3A_826] : memref<512x2xf32, #tpu.memory_space<vmem>> -> memref<1x2xf32, #tpu.memory_space<vmem>>
        %dma_wait3A_828 = arith.constant 0 : i32
        %dma_wait3A_829 = arith.constant 0 : i32
        %dma_wait3A_830 = tpu.memref_slice %arg2[%dma_wait3A_828, %dma_wait3A_829] : memref<1000000x2xf32, #tpu.memory_space<hbm>> -> memref<1x2xf32, #tpu.memory_space<hbm>>
        %dma_wait3A_831 = arith.constant 0 : i32
        %dma_wait3A_832 = tpu.memref_slice %arg6[%add3A_825, %dma_wait3A_831] : memref<512x2xf32, #tpu.memory_space<vmem>> -> memref<1x2xf32, #tpu.memory_space<vmem>>
        %dma_wait3A_833 = arith.constant 0 : i32
        %dma_wait3A_834 = arith.constant 0 : i32
        %dma_wait3A_835 = tpu.memref_slice %arg2[%dma_wait3A_833, %dma_wait3A_834] : memref<1000000x2xf32, #tpu.memory_space<hbm>> -> memref<1x2xf32, #tpu.memory_space<hbm>>
        tpu.wait_dma2 semaphore(%arg9 : memref<!tpu.dma_semaphore, #tpu.memory_space<semaphore_mem>>) src(%dma_wait3A_835 : memref<1x2xf32, #tpu.memory_space<hbm>>) dst(%dma_wait3A_832 : memref<1x2xf32, #tpu.memory_space<vmem>>)
        %mul3A_836 = arith.constant 16 : i32
        %mul3A_837 = arith.muli %sub3A_765, %mul3A_836 : i32
        %add3A_838 = arith.constant 5 : i32
        %add3A_839 = arith.addi %mul3A_837, %add3A_838 : i32
        %dma_wait3A_840 = arith.constant 0 : i32
        %dma_wait3A_841 = tpu.memref_slice %arg6[%add3A_839, %dma_wait3A_840] : memref<512x2xf32, #tpu.memory_space<vmem>> -> memref<1x2xf32, #tpu.memory_space<vmem>>
        %dma_wait3A_842 = arith.constant 0 : i32
        %dma_wait3A_843 = arith.constant 0 : i32
        %dma_wait3A_844 = tpu.memref_slice %arg2[%dma_wait3A_842, %dma_wait3A_843] : memref<1000000x2xf32, #tpu.memory_space<hbm>> -> memref<1x2xf32, #tpu.memory_space<hbm>>
        %dma_wait3A_845 = arith.constant 0 : i32
        %dma_wait3A_846 = tpu.memref_slice %arg6[%add3A_839, %dma_wait3A_845] : memref<512x2xf32, #tpu.memory_space<vmem>> -> memref<1x2xf32, #tpu.memory_space<vmem>>
        %dma_wait3A_847 = arith.constant 0 : i32
        %dma_wait3A_848 = arith.constant 0 : i32
        %dma_wait3A_849 = tpu.memref_slice %arg2[%dma_wait3A_847, %dma_wait3A_848] : memref<1000000x2xf32, #tpu.memory_space<hbm>> -> memref<1x2xf32, #tpu.memory_space<hbm>>
        tpu.wait_dma2 semaphore(%arg9 : memref<!tpu.dma_semaphore, #tpu.memory_space<semaphore_mem>>) src(%dma_wait3A_849 : memref<1x2xf32, #tpu.memory_space<hbm>>) dst(%dma_wait3A_846 : memref<1x2xf32, #tpu.memory_space<vmem>>)
        %mul3A_850 = arith.constant 16 : i32
        %mul3A_851 = arith.muli %sub3A_765, %mul3A_850 : i32
        %add3A_852 = arith.constant 6 : i32
        %add3A_853 = arith.addi %mul3A_851, %add3A_852 : i32
        %dma_wait3A_854 = arith.constant 0 : i32
        %dma_wait3A_855 = tpu.memref_slice %arg6[%add3A_853, %dma_wait3A_854] : memref<512x2xf32, #tpu.memory_space<vmem>> -> memref<1x2xf32, #tpu.memory_space<vmem>>
        %dma_wait3A_856 = arith.constant 0 : i32
        %dma_wait3A_857 = arith.constant 0 : i32
        %dma_wait3A_858 = tpu.memref_slice %arg2[%dma_wait3A_856, %dma_wait3A_857] : memref<1000000x2xf32, #tpu.memory_space<hbm>> -> memref<1x2xf32, #tpu.memory_space<hbm>>
        %dma_wait3A_859 = arith.constant 0 : i32
        %dma_wait3A_860 = tpu.memref_slice %arg6[%add3A_853, %dma_wait3A_859] : memref<512x2xf32, #tpu.memory_space<vmem>> -> memref<1x2xf32, #tpu.memory_space<vmem>>
        %dma_wait3A_861 = arith.constant 0 : i32
        %dma_wait3A_862 = arith.constant 0 : i32
        %dma_wait3A_863 = tpu.memref_slice %arg2[%dma_wait3A_861, %dma_wait3A_862] : memref<1000000x2xf32, #tpu.memory_space<hbm>> -> memref<1x2xf32, #tpu.memory_space<hbm>>
        tpu.wait_dma2 semaphore(%arg9 : memref<!tpu.dma_semaphore, #tpu.memory_space<semaphore_mem>>) src(%dma_wait3A_863 : memref<1x2xf32, #tpu.memory_space<hbm>>) dst(%dma_wait3A_860 : memref<1x2xf32, #tpu.memory_space<vmem>>)
        %mul3A_864 = arith.constant 16 : i32
        %mul3A_865 = arith.muli %sub3A_765, %mul3A_864 : i32
        %add3A_866 = arith.constant 7 : i32
        %add3A_867 = arith.addi %mul3A_865, %add3A_866 : i32
        %dma_wait3A_868 = arith.constant 0 : i32
        %dma_wait3A_869 = tpu.memref_slice %arg6[%add3A_867, %dma_wait3A_868] : memref<512x2xf32, #tpu.memory_space<vmem>> -> memref<1x2xf32, #tpu.memory_space<vmem>>
        %dma_wait3A_870 = arith.constant 0 : i32
        %dma_wait3A_871 = arith.constant 0 : i32
        %dma_wait3A_872 = tpu.memref_slice %arg2[%dma_wait3A_870, %dma_wait3A_871] : memref<1000000x2xf32, #tpu.memory_space<hbm>> -> memref<1x2xf32, #tpu.memory_space<hbm>>
        %dma_wait3A_873 = arith.constant 0 : i32
        %dma_wait3A_874 = tpu.memref_slice %arg6[%add3A_867, %dma_wait3A_873] : memref<512x2xf32, #tpu.memory_space<vmem>> -> memref<1x2xf32, #tpu.memory_space<vmem>>
        %dma_wait3A_875 = arith.constant 0 : i32
        %dma_wait3A_876 = arith.constant 0 : i32
        %dma_wait3A_877 = tpu.memref_slice %arg2[%dma_wait3A_875, %dma_wait3A_876] : memref<1000000x2xf32, #tpu.memory_space<hbm>> -> memref<1x2xf32, #tpu.memory_space<hbm>>
        tpu.wait_dma2 semaphore(%arg9 : memref<!tpu.dma_semaphore, #tpu.memory_space<semaphore_mem>>) src(%dma_wait3A_877 : memref<1x2xf32, #tpu.memory_space<hbm>>) dst(%dma_wait3A_874 : memref<1x2xf32, #tpu.memory_space<vmem>>)
        %mul3A_878 = arith.constant 16 : i32
        %mul3A_879 = arith.muli %sub3A_765, %mul3A_878 : i32
        %add3A_880 = arith.constant 8 : i32
        %add3A_881 = arith.addi %mul3A_879, %add3A_880 : i32
        %dma_wait3A_882 = arith.constant 0 : i32
        %dma_wait3A_883 = tpu.memref_slice %arg6[%add3A_881, %dma_wait3A_882] : memref<512x2xf32, #tpu.memory_space<vmem>> -> memref<1x2xf32, #tpu.memory_space<vmem>>
        %dma_wait3A_884 = arith.constant 0 : i32
        %dma_wait3A_885 = arith.constant 0 : i32
        %dma_wait3A_886 = tpu.memref_slice %arg2[%dma_wait3A_884, %dma_wait3A_885] : memref<1000000x2xf32, #tpu.memory_space<hbm>> -> memref<1x2xf32, #tpu.memory_space<hbm>>
        %dma_wait3A_887 = arith.constant 0 : i32
        %dma_wait3A_888 = tpu.memref_slice %arg6[%add3A_881, %dma_wait3A_887] : memref<512x2xf32, #tpu.memory_space<vmem>> -> memref<1x2xf32, #tpu.memory_space<vmem>>
        %dma_wait3A_889 = arith.constant 0 : i32
        %dma_wait3A_890 = arith.constant 0 : i32
        %dma_wait3A_891 = tpu.memref_slice %arg2[%dma_wait3A_889, %dma_wait3A_890] : memref<1000000x2xf32, #tpu.memory_space<hbm>> -> memref<1x2xf32, #tpu.memory_space<hbm>>
        tpu.wait_dma2 semaphore(%arg9 : memref<!tpu.dma_semaphore, #tpu.memory_space<semaphore_mem>>) src(%dma_wait3A_891 : memref<1x2xf32, #tpu.memory_space<hbm>>) dst(%dma_wait3A_888 : memref<1x2xf32, #tpu.memory_space<vmem>>)
        %mul3A_892 = arith.constant 16 : i32
        %mul3A_893 = arith.muli %sub3A_765, %mul3A_892 : i32
        %add3A_894 = arith.constant 9 : i32
        %add3A_895 = arith.addi %mul3A_893, %add3A_894 : i32
        %dma_wait3A_896 = arith.constant 0 : i32
        %dma_wait3A_897 = tpu.memref_slice %arg6[%add3A_895, %dma_wait3A_896] : memref<512x2xf32, #tpu.memory_space<vmem>> -> memref<1x2xf32, #tpu.memory_space<vmem>>
        %dma_wait3A_898 = arith.constant 0 : i32
        %dma_wait3A_899 = arith.constant 0 : i32
        %dma_wait3A_900 = tpu.memref_slice %arg2[%dma_wait3A_898, %dma_wait3A_899] : memref<1000000x2xf32, #tpu.memory_space<hbm>> -> memref<1x2xf32, #tpu.memory_space<hbm>>
        %dma_wait3A_901 = arith.constant 0 : i32
        %dma_wait3A_902 = tpu.memref_slice %arg6[%add3A_895, %dma_wait3A_901] : memref<512x2xf32, #tpu.memory_space<vmem>> -> memref<1x2xf32, #tpu.memory_space<vmem>>
        %dma_wait3A_903 = arith.constant 0 : i32
        %dma_wait3A_904 = arith.constant 0 : i32
        %dma_wait3A_905 = tpu.memref_slice %arg2[%dma_wait3A_903, %dma_wait3A_904] : memref<1000000x2xf32, #tpu.memory_space<hbm>> -> memref<1x2xf32, #tpu.memory_space<hbm>>
        tpu.wait_dma2 semaphore(%arg9 : memref<!tpu.dma_semaphore, #tpu.memory_space<semaphore_mem>>) src(%dma_wait3A_905 : memref<1x2xf32, #tpu.memory_space<hbm>>) dst(%dma_wait3A_902 : memref<1x2xf32, #tpu.memory_space<vmem>>)
        %mul3A_906 = arith.constant 16 : i32
        %mul3A_907 = arith.muli %sub3A_765, %mul3A_906 : i32
        %add3A_908 = arith.constant 10 : i32
        %add3A_909 = arith.addi %mul3A_907, %add3A_908 : i32
        %dma_wait3A_910 = arith.constant 0 : i32
        %dma_wait3A_911 = tpu.memref_slice %arg6[%add3A_909, %dma_wait3A_910] : memref<512x2xf32, #tpu.memory_space<vmem>> -> memref<1x2xf32, #tpu.memory_space<vmem>>
        %dma_wait3A_912 = arith.constant 0 : i32
        %dma_wait3A_913 = arith.constant 0 : i32
        %dma_wait3A_914 = tpu.memref_slice %arg2[%dma_wait3A_912, %dma_wait3A_913] : memref<1000000x2xf32, #tpu.memory_space<hbm>> -> memref<1x2xf32, #tpu.memory_space<hbm>>
        %dma_wait3A_915 = arith.constant 0 : i32
        %dma_wait3A_916 = tpu.memref_slice %arg6[%add3A_909, %dma_wait3A_915] : memref<512x2xf32, #tpu.memory_space<vmem>> -> memref<1x2xf32, #tpu.memory_space<vmem>>
        %dma_wait3A_917 = arith.constant 0 : i32
        %dma_wait3A_918 = arith.constant 0 : i32
        %dma_wait3A_919 = tpu.memref_slice %arg2[%dma_wait3A_917, %dma_wait3A_918] : memref<1000000x2xf32, #tpu.memory_space<hbm>> -> memref<1x2xf32, #tpu.memory_space<hbm>>
        tpu.wait_dma2 semaphore(%arg9 : memref<!tpu.dma_semaphore, #tpu.memory_space<semaphore_mem>>) src(%dma_wait3A_919 : memref<1x2xf32, #tpu.memory_space<hbm>>) dst(%dma_wait3A_916 : memref<1x2xf32, #tpu.memory_space<vmem>>)
        %mul3A_920 = arith.constant 16 : i32
        %mul3A_921 = arith.muli %sub3A_765, %mul3A_920 : i32
        %add3A_922 = arith.constant 11 : i32
        %add3A_923 = arith.addi %mul3A_921, %add3A_922 : i32
        %dma_wait3A_924 = arith.constant 0 : i32
        %dma_wait3A_925 = tpu.memref_slice %arg6[%add3A_923, %dma_wait3A_924] : memref<512x2xf32, #tpu.memory_space<vmem>> -> memref<1x2xf32, #tpu.memory_space<vmem>>
        %dma_wait3A_926 = arith.constant 0 : i32
        %dma_wait3A_927 = arith.constant 0 : i32
        %dma_wait3A_928 = tpu.memref_slice %arg2[%dma_wait3A_926, %dma_wait3A_927] : memref<1000000x2xf32, #tpu.memory_space<hbm>> -> memref<1x2xf32, #tpu.memory_space<hbm>>
        %dma_wait3A_929 = arith.constant 0 : i32
        %dma_wait3A_930 = tpu.memref_slice %arg6[%add3A_923, %dma_wait3A_929] : memref<512x2xf32, #tpu.memory_space<vmem>> -> memref<1x2xf32, #tpu.memory_space<vmem>>
        %dma_wait3A_931 = arith.constant 0 : i32
        %dma_wait3A_932 = arith.constant 0 : i32
        %dma_wait3A_933 = tpu.memref_slice %arg2[%dma_wait3A_931, %dma_wait3A_932] : memref<1000000x2xf32, #tpu.memory_space<hbm>> -> memref<1x2xf32, #tpu.memory_space<hbm>>
        tpu.wait_dma2 semaphore(%arg9 : memref<!tpu.dma_semaphore, #tpu.memory_space<semaphore_mem>>) src(%dma_wait3A_933 : memref<1x2xf32, #tpu.memory_space<hbm>>) dst(%dma_wait3A_930 : memref<1x2xf32, #tpu.memory_space<vmem>>)
        %mul3A_934 = arith.constant 16 : i32
        %mul3A_935 = arith.muli %sub3A_765, %mul3A_934 : i32
        %add3A_936 = arith.constant 12 : i32
        %add3A_937 = arith.addi %mul3A_935, %add3A_936 : i32
        %dma_wait3A_938 = arith.constant 0 : i32
        %dma_wait3A_939 = tpu.memref_slice %arg6[%add3A_937, %dma_wait3A_938] : memref<512x2xf32, #tpu.memory_space<vmem>> -> memref<1x2xf32, #tpu.memory_space<vmem>>
        %dma_wait3A_940 = arith.constant 0 : i32
        %dma_wait3A_941 = arith.constant 0 : i32
        %dma_wait3A_942 = tpu.memref_slice %arg2[%dma_wait3A_940, %dma_wait3A_941] : memref<1000000x2xf32, #tpu.memory_space<hbm>> -> memref<1x2xf32, #tpu.memory_space<hbm>>
        %dma_wait3A_943 = arith.constant 0 : i32
        %dma_wait3A_944 = tpu.memref_slice %arg6[%add3A_937, %dma_wait3A_943] : memref<512x2xf32, #tpu.memory_space<vmem>> -> memref<1x2xf32, #tpu.memory_space<vmem>>
        %dma_wait3A_945 = arith.constant 0 : i32
        %dma_wait3A_946 = arith.constant 0 : i32
        %dma_wait3A_947 = tpu.memref_slice %arg2[%dma_wait3A_945, %dma_wait3A_946] : memref<1000000x2xf32, #tpu.memory_space<hbm>> -> memref<1x2xf32, #tpu.memory_space<hbm>>
        tpu.wait_dma2 semaphore(%arg9 : memref<!tpu.dma_semaphore, #tpu.memory_space<semaphore_mem>>) src(%dma_wait3A_947 : memref<1x2xf32, #tpu.memory_space<hbm>>) dst(%dma_wait3A_944 : memref<1x2xf32, #tpu.memory_space<vmem>>)
        %mul3A_948 = arith.constant 16 : i32
        %mul3A_949 = arith.muli %sub3A_765, %mul3A_948 : i32
        %add3A_950 = arith.constant 13 : i32
        %add3A_951 = arith.addi %mul3A_949, %add3A_950 : i32
        %dma_wait3A_952 = arith.constant 0 : i32
        %dma_wait3A_953 = tpu.memref_slice %arg6[%add3A_951, %dma_wait3A_952] : memref<512x2xf32, #tpu.memory_space<vmem>> -> memref<1x2xf32, #tpu.memory_space<vmem>>
        %dma_wait3A_954 = arith.constant 0 : i32
        %dma_wait3A_955 = arith.constant 0 : i32
        %dma_wait3A_956 = tpu.memref_slice %arg2[%dma_wait3A_954, %dma_wait3A_955] : memref<1000000x2xf32, #tpu.memory_space<hbm>> -> memref<1x2xf32, #tpu.memory_space<hbm>>
        %dma_wait3A_957 = arith.constant 0 : i32
        %dma_wait3A_958 = tpu.memref_slice %arg6[%add3A_951, %dma_wait3A_957] : memref<512x2xf32, #tpu.memory_space<vmem>> -> memref<1x2xf32, #tpu.memory_space<vmem>>
        %dma_wait3A_959 = arith.constant 0 : i32
        %dma_wait3A_960 = arith.constant 0 : i32
        %dma_wait3A_961 = tpu.memref_slice %arg2[%dma_wait3A_959, %dma_wait3A_960] : memref<1000000x2xf32, #tpu.memory_space<hbm>> -> memref<1x2xf32, #tpu.memory_space<hbm>>
        tpu.wait_dma2 semaphore(%arg9 : memref<!tpu.dma_semaphore, #tpu.memory_space<semaphore_mem>>) src(%dma_wait3A_961 : memref<1x2xf32, #tpu.memory_space<hbm>>) dst(%dma_wait3A_958 : memref<1x2xf32, #tpu.memory_space<vmem>>)
        %mul3A_962 = arith.constant 16 : i32
        %mul3A_963 = arith.muli %sub3A_765, %mul3A_962 : i32
        %add3A_964 = arith.constant 14 : i32
        %add3A_965 = arith.addi %mul3A_963, %add3A_964 : i32
        %dma_wait3A_966 = arith.constant 0 : i32
        %dma_wait3A_967 = tpu.memref_slice %arg6[%add3A_965, %dma_wait3A_966] : memref<512x2xf32, #tpu.memory_space<vmem>> -> memref<1x2xf32, #tpu.memory_space<vmem>>
        %dma_wait3A_968 = arith.constant 0 : i32
        %dma_wait3A_969 = arith.constant 0 : i32
        %dma_wait3A_970 = tpu.memref_slice %arg2[%dma_wait3A_968, %dma_wait3A_969] : memref<1000000x2xf32, #tpu.memory_space<hbm>> -> memref<1x2xf32, #tpu.memory_space<hbm>>
        %dma_wait3A_971 = arith.constant 0 : i32
        %dma_wait3A_972 = tpu.memref_slice %arg6[%add3A_965, %dma_wait3A_971] : memref<512x2xf32, #tpu.memory_space<vmem>> -> memref<1x2xf32, #tpu.memory_space<vmem>>
        %dma_wait3A_973 = arith.constant 0 : i32
        %dma_wait3A_974 = arith.constant 0 : i32
        %dma_wait3A_975 = tpu.memref_slice %arg2[%dma_wait3A_973, %dma_wait3A_974] : memref<1000000x2xf32, #tpu.memory_space<hbm>> -> memref<1x2xf32, #tpu.memory_space<hbm>>
        tpu.wait_dma2 semaphore(%arg9 : memref<!tpu.dma_semaphore, #tpu.memory_space<semaphore_mem>>) src(%dma_wait3A_975 : memref<1x2xf32, #tpu.memory_space<hbm>>) dst(%dma_wait3A_972 : memref<1x2xf32, #tpu.memory_space<vmem>>)
        %mul3A_976 = arith.constant 16 : i32
        %mul3A_977 = arith.muli %sub3A_765, %mul3A_976 : i32
        %add3A_978 = arith.constant 15 : i32
        %add3A_979 = arith.addi %mul3A_977, %add3A_978 : i32
        %dma_wait3A_980 = arith.constant 0 : i32
        %dma_wait3A_981 = tpu.memref_slice %arg6[%add3A_979, %dma_wait3A_980] : memref<512x2xf32, #tpu.memory_space<vmem>> -> memref<1x2xf32, #tpu.memory_space<vmem>>
        %dma_wait3A_982 = arith.constant 0 : i32
        %dma_wait3A_983 = arith.constant 0 : i32
        %dma_wait3A_984 = tpu.memref_slice %arg2[%dma_wait3A_982, %dma_wait3A_983] : memref<1000000x2xf32, #tpu.memory_space<hbm>> -> memref<1x2xf32, #tpu.memory_space<hbm>>
        %dma_wait3A_985 = arith.constant 0 : i32
        %dma_wait3A_986 = tpu.memref_slice %arg6[%add3A_979, %dma_wait3A_985] : memref<512x2xf32, #tpu.memory_space<vmem>> -> memref<1x2xf32, #tpu.memory_space<vmem>>
        %dma_wait3A_987 = arith.constant 0 : i32
        %dma_wait3A_988 = arith.constant 0 : i32
        %dma_wait3A_989 = tpu.memref_slice %arg2[%dma_wait3A_987, %dma_wait3A_988] : memref<1000000x2xf32, #tpu.memory_space<hbm>> -> memref<1x2xf32, #tpu.memory_space<hbm>>
        tpu.wait_dma2 semaphore(%arg9 : memref<!tpu.dma_semaphore, #tpu.memory_space<semaphore_mem>>) src(%dma_wait3A_989 : memref<1x2xf32, #tpu.memory_space<hbm>>) dst(%dma_wait3A_986 : memref<1x2xf32, #tpu.memory_space<vmem>>)
        %sub3A_990 = arith.constant 2 : i32
        %sub3A_991 = arith.subi %scan3A_412, %sub3A_990 : i32
        %mul3A_992 = arith.constant 16 : i32
        %mul3A_993 = arith.muli %sub3A_991, %mul3A_992 : i32
        %add3A_994 = vector.broadcast %mul3A_993 : i32 to vector<16xi32>
        %add3A_995 = arith.addi %iota3A, %add3A_994 : vector<16xi32>
        %gather3A_996 = tpu.vector_load_idx %arg6[%add3A_995, %broadcast_in_dim3A_3] : memref<512x2xf32, #tpu.memory_space<vmem>>[vector<16xi32>, vector<16xi32>], vector<16xf32>,
        %mul3A_997 = arith.constant 16 : i32
        %mul3A_998 = arith.muli %sub3A_991, %mul3A_997 : i32
        %swap3A_999 = arith.index_cast %mul3A_998 : i32 to index
        %swap3A_1000 = tpu.vector_load %arg7[%swap3A_999] {strides = array<i32>} : memref<512xf32, #tpu.memory_space<vmem>>, vector<16xf32>,
        tpu.vector_store %arg7[%swap3A_999], %gather3A_996 {strides = array<i32>} : memref<512xf32, #tpu.memory_space<vmem>>, vector<16xf32>,
        %gather3A_1001 = tpu.vector_load_idx %arg6[%add3A_995, %add3A_6] : memref<512x2xf32, #tpu.memory_space<vmem>>[vector<16xi32>, vector<16xi32>], vector<16xf32>,
        %mul3A_1002 = arith.constant 16 : i32
        %mul3A_1003 = arith.muli %sub3A_991, %mul3A_1002 : i32
        %swap3A_1004 = arith.index_cast %mul3A_1003 : i32 to index
        %swap3A_1005 = tpu.vector_load %arg8[%swap3A_1004] {strides = array<i32>} : memref<512xf32, #tpu.memory_space<vmem>>, vector<16xf32>,
        tpu.vector_store %arg8[%swap3A_1004], %gather3A_1001 {strides = array<i32>} : memref<512xf32, #tpu.memory_space<vmem>>, vector<16xf32>,
      } else {
      }
    }
    %scan3A_11 = arith.constant 32 : i32
    %dma_wait3A = arith.constant 480 : i32
    %dma_wait3A_12 = arith.constant 0 : i32
    %dma_wait3A_13 = tpu.memref_slice %arg6[%dma_wait3A, %dma_wait3A_12] : memref<512x2xf32, #tpu.memory_space<vmem>> -> memref<1x2xf32, #tpu.memory_space<vmem>>
    %dma_wait3A_14 = arith.constant 0 : i32
    %dma_wait3A_15 = arith.constant 0 : i32
    %dma_wait3A_16 = tpu.memref_slice %arg2[%dma_wait3A_14, %dma_wait3A_15] : memref<1000000x2xf32, #tpu.memory_space<hbm>> -> memref<1x2xf32, #tpu.memory_space<hbm>>
    %dma_wait3A_17 = arith.constant 480 : i32
    %dma_wait3A_18 = arith.constant 0 : i32
    %dma_wait3A_19 = tpu.memref_slice %arg6[%dma_wait3A_17, %dma_wait3A_18] : memref<512x2xf32, #tpu.memory_space<vmem>> -> memref<1x2xf32, #tpu.memory_space<vmem>>
    %dma_wait3A_20 = arith.constant 0 : i32
    %dma_wait3A_21 = arith.constant 0 : i32
    %dma_wait3A_22 = tpu.memref_slice %arg2[%dma_wait3A_20, %dma_wait3A_21] : memref<1000000x2xf32, #tpu.memory_space<hbm>> -> memref<1x2xf32, #tpu.memory_space<hbm>>
    tpu.wait_dma2 semaphore(%arg9 : memref<!tpu.dma_semaphore, #tpu.memory_space<semaphore_mem>>) src(%dma_wait3A_22 : memref<1x2xf32, #tpu.memory_space<hbm>>) dst(%dma_wait3A_19 : memref<1x2xf32, #tpu.memory_space<vmem>>)
    %dma_wait3A_23 = arith.constant 481 : i32
    %dma_wait3A_24 = arith.constant 0 : i32
    %dma_wait3A_25 = tpu.memref_slice %arg6[%dma_wait3A_23, %dma_wait3A_24] : memref<512x2xf32, #tpu.memory_space<vmem>> -> memref<1x2xf32, #tpu.memory_space<vmem>>
    %dma_wait3A_26 = arith.constant 0 : i32
    %dma_wait3A_27 = arith.constant 0 : i32
    %dma_wait3A_28 = tpu.memref_slice %arg2[%dma_wait3A_26, %dma_wait3A_27] : memref<1000000x2xf32, #tpu.memory_space<hbm>> -> memref<1x2xf32, #tpu.memory_space<hbm>>
    %dma_wait3A_29 = arith.constant 481 : i32
    %dma_wait3A_30 = arith.constant 0 : i32
    %dma_wait3A_31 = tpu.memref_slice %arg6[%dma_wait3A_29, %dma_wait3A_30] : memref<512x2xf32, #tpu.memory_space<vmem>> -> memref<1x2xf32, #tpu.memory_space<vmem>>
    %dma_wait3A_32 = arith.constant 0 : i32
    %dma_wait3A_33 = arith.constant 0 : i32
    %dma_wait3A_34 = tpu.memref_slice %arg2[%dma_wait3A_32, %dma_wait3A_33] : memref<1000000x2xf32, #tpu.memory_space<hbm>> -> memref<1x2xf32, #tpu.memory_space<hbm>>
    tpu.wait_dma2 semaphore(%arg9 : memref<!tpu.dma_semaphore, #tpu.memory_space<semaphore_mem>>) src(%dma_wait3A_34 : memref<1x2xf32, #tpu.memory_space<hbm>>) dst(%dma_wait3A_31 : memref<1x2xf32, #tpu.memory_space<vmem>>)
    %dma_wait3A_35 = arith.constant 482 : i32
    %dma_wait3A_36 = arith.constant 0 : i32
    %dma_wait3A_37 = tpu.memref_slice %arg6[%dma_wait3A_35, %dma_wait3A_36] : memref<512x2xf32, #tpu.memory_space<vmem>> -> memref<1x2xf32, #tpu.memory_space<vmem>>
    %dma_wait3A_38 = arith.constant 0 : i32
    %dma_wait3A_39 = arith.constant 0 : i32
    %dma_wait3A_40 = tpu.memref_slice %arg2[%dma_wait3A_38, %dma_wait3A_39] : memref<1000000x2xf32, #tpu.memory_space<hbm>> -> memref<1x2xf32, #tpu.memory_space<hbm>>
    %dma_wait3A_41 = arith.constant 482 : i32
    %dma_wait3A_42 = arith.constant 0 : i32
    %dma_wait3A_43 = tpu.memref_slice %arg6[%dma_wait3A_41, %dma_wait3A_42] : memref<512x2xf32, #tpu.memory_space<vmem>> -> memref<1x2xf32, #tpu.memory_space<vmem>>
    %dma_wait3A_44 = arith.constant 0 : i32
    %dma_wait3A_45 = arith.constant 0 : i32
    %dma_wait3A_46 = tpu.memref_slice %arg2[%dma_wait3A_44, %dma_wait3A_45] : memref<1000000x2xf32, #tpu.memory_space<hbm>> -> memref<1x2xf32, #tpu.memory_space<hbm>>
    tpu.wait_dma2 semaphore(%arg9 : memref<!tpu.dma_semaphore, #tpu.memory_space<semaphore_mem>>) src(%dma_wait3A_46 : memref<1x2xf32, #tpu.memory_space<hbm>>) dst(%dma_wait3A_43 : memref<1x2xf32, #tpu.memory_space<vmem>>)
    %dma_wait3A_47 = arith.constant 483 : i32
    %dma_wait3A_48 = arith.constant 0 : i32
    %dma_wait3A_49 = tpu.memref_slice %arg6[%dma_wait3A_47, %dma_wait3A_48] : memref<512x2xf32, #tpu.memory_space<vmem>> -> memref<1x2xf32, #tpu.memory_space<vmem>>
    %dma_wait3A_50 = arith.constant 0 : i32
    %dma_wait3A_51 = arith.constant 0 : i32
    %dma_wait3A_52 = tpu.memref_slice %arg2[%dma_wait3A_50, %dma_wait3A_51] : memref<1000000x2xf32, #tpu.memory_space<hbm>> -> memref<1x2xf32, #tpu.memory_space<hbm>>
    %dma_wait3A_53 = arith.constant 483 : i32
    %dma_wait3A_54 = arith.constant 0 : i32
    %dma_wait3A_55 = tpu.memref_slice %arg6[%dma_wait3A_53, %dma_wait3A_54] : memref<512x2xf32, #tpu.memory_space<vmem>> -> memref<1x2xf32, #tpu.memory_space<vmem>>
    %dma_wait3A_56 = arith.constant 0 : i32
    %dma_wait3A_57 = arith.constant 0 : i32
    %dma_wait3A_58 = tpu.memref_slice %arg2[%dma_wait3A_56, %dma_wait3A_57] : memref<1000000x2xf32, #tpu.memory_space<hbm>> -> memref<1x2xf32, #tpu.memory_space<hbm>>
    tpu.wait_dma2 semaphore(%arg9 : memref<!tpu.dma_semaphore, #tpu.memory_space<semaphore_mem>>) src(%dma_wait3A_58 : memref<1x2xf32, #tpu.memory_space<hbm>>) dst(%dma_wait3A_55 : memref<1x2xf32, #tpu.memory_space<vmem>>)
    %dma_wait3A_59 = arith.constant 484 : i32
    %dma_wait3A_60 = arith.constant 0 : i32
    %dma_wait3A_61 = tpu.memref_slice %arg6[%dma_wait3A_59, %dma_wait3A_60] : memref<512x2xf32, #tpu.memory_space<vmem>> -> memref<1x2xf32, #tpu.memory_space<vmem>>
    %dma_wait3A_62 = arith.constant 0 : i32
    %dma_wait3A_63 = arith.constant 0 : i32
    %dma_wait3A_64 = tpu.memref_slice %arg2[%dma_wait3A_62, %dma_wait3A_63] : memref<1000000x2xf32, #tpu.memory_space<hbm>> -> memref<1x2xf32, #tpu.memory_space<hbm>>
    %dma_wait3A_65 = arith.constant 484 : i32
    %dma_wait3A_66 = arith.constant 0 : i32
    %dma_wait3A_67 = tpu.memref_slice %arg6[%dma_wait3A_65, %dma_wait3A_66] : memref<512x2xf32, #tpu.memory_space<vmem>> -> memref<1x2xf32, #tpu.memory_space<vmem>>
    %dma_wait3A_68 = arith.constant 0 : i32
    %dma_wait3A_69 = arith.constant 0 : i32
    %dma_wait3A_70 = tpu.memref_slice %arg2[%dma_wait3A_68, %dma_wait3A_69] : memref<1000000x2xf32, #tpu.memory_space<hbm>> -> memref<1x2xf32, #tpu.memory_space<hbm>>
    tpu.wait_dma2 semaphore(%arg9 : memref<!tpu.dma_semaphore, #tpu.memory_space<semaphore_mem>>) src(%dma_wait3A_70 : memref<1x2xf32, #tpu.memory_space<hbm>>) dst(%dma_wait3A_67 : memref<1x2xf32, #tpu.memory_space<vmem>>)
    %dma_wait3A_71 = arith.constant 485 : i32
    %dma_wait3A_72 = arith.constant 0 : i32
    %dma_wait3A_73 = tpu.memref_slice %arg6[%dma_wait3A_71, %dma_wait3A_72] : memref<512x2xf32, #tpu.memory_space<vmem>> -> memref<1x2xf32, #tpu.memory_space<vmem>>
    %dma_wait3A_74 = arith.constant 0 : i32
    %dma_wait3A_75 = arith.constant 0 : i32
    %dma_wait3A_76 = tpu.memref_slice %arg2[%dma_wait3A_74, %dma_wait3A_75] : memref<1000000x2xf32, #tpu.memory_space<hbm>> -> memref<1x2xf32, #tpu.memory_space<hbm>>
    %dma_wait3A_77 = arith.constant 485 : i32
    %dma_wait3A_78 = arith.constant 0 : i32
    %dma_wait3A_79 = tpu.memref_slice %arg6[%dma_wait3A_77, %dma_wait3A_78] : memref<512x2xf32, #tpu.memory_space<vmem>> -> memref<1x2xf32, #tpu.memory_space<vmem>>
    %dma_wait3A_80 = arith.constant 0 : i32
    %dma_wait3A_81 = arith.constant 0 : i32
    %dma_wait3A_82 = tpu.memref_slice %arg2[%dma_wait3A_80, %dma_wait3A_81] : memref<1000000x2xf32, #tpu.memory_space<hbm>> -> memref<1x2xf32, #tpu.memory_space<hbm>>
    tpu.wait_dma2 semaphore(%arg9 : memref<!tpu.dma_semaphore, #tpu.memory_space<semaphore_mem>>) src(%dma_wait3A_82 : memref<1x2xf32, #tpu.memory_space<hbm>>) dst(%dma_wait3A_79 : memref<1x2xf32, #tpu.memory_space<vmem>>)
    %dma_wait3A_83 = arith.constant 486 : i32
    %dma_wait3A_84 = arith.constant 0 : i32
    %dma_wait3A_85 = tpu.memref_slice %arg6[%dma_wait3A_83, %dma_wait3A_84] : memref<512x2xf32, #tpu.memory_space<vmem>> -> memref<1x2xf32, #tpu.memory_space<vmem>>
    %dma_wait3A_86 = arith.constant 0 : i32
    %dma_wait3A_87 = arith.constant 0 : i32
    %dma_wait3A_88 = tpu.memref_slice %arg2[%dma_wait3A_86, %dma_wait3A_87] : memref<1000000x2xf32, #tpu.memory_space<hbm>> -> memref<1x2xf32, #tpu.memory_space<hbm>>
    %dma_wait3A_89 = arith.constant 486 : i32
    %dma_wait3A_90 = arith.constant 0 : i32
    %dma_wait3A_91 = tpu.memref_slice %arg6[%dma_wait3A_89, %dma_wait3A_90] : memref<512x2xf32, #tpu.memory_space<vmem>> -> memref<1x2xf32, #tpu.memory_space<vmem>>
    %dma_wait3A_92 = arith.constant 0 : i32
    %dma_wait3A_93 = arith.constant 0 : i32
    %dma_wait3A_94 = tpu.memref_slice %arg2[%dma_wait3A_92, %dma_wait3A_93] : memref<1000000x2xf32, #tpu.memory_space<hbm>> -> memref<1x2xf32, #tpu.memory_space<hbm>>
    tpu.wait_dma2 semaphore(%arg9 : memref<!tpu.dma_semaphore, #tpu.memory_space<semaphore_mem>>) src(%dma_wait3A_94 : memref<1x2xf32, #tpu.memory_space<hbm>>) dst(%dma_wait3A_91 : memref<1x2xf32, #tpu.memory_space<vmem>>)
    %dma_wait3A_95 = arith.constant 487 : i32
    %dma_wait3A_96 = arith.constant 0 : i32
    %dma_wait3A_97 = tpu.memref_slice %arg6[%dma_wait3A_95, %dma_wait3A_96] : memref<512x2xf32, #tpu.memory_space<vmem>> -> memref<1x2xf32, #tpu.memory_space<vmem>>
    %dma_wait3A_98 = arith.constant 0 : i32
    %dma_wait3A_99 = arith.constant 0 : i32
    %dma_wait3A_100 = tpu.memref_slice %arg2[%dma_wait3A_98, %dma_wait3A_99] : memref<1000000x2xf32, #tpu.memory_space<hbm>> -> memref<1x2xf32, #tpu.memory_space<hbm>>
    %dma_wait3A_101 = arith.constant 487 : i32
    %dma_wait3A_102 = arith.constant 0 : i32
    %dma_wait3A_103 = tpu.memref_slice %arg6[%dma_wait3A_101, %dma_wait3A_102] : memref<512x2xf32, #tpu.memory_space<vmem>> -> memref<1x2xf32, #tpu.memory_space<vmem>>
    %dma_wait3A_104 = arith.constant 0 : i32
    %dma_wait3A_105 = arith.constant 0 : i32
    %dma_wait3A_106 = tpu.memref_slice %arg2[%dma_wait3A_104, %dma_wait3A_105] : memref<1000000x2xf32, #tpu.memory_space<hbm>> -> memref<1x2xf32, #tpu.memory_space<hbm>>
    tpu.wait_dma2 semaphore(%arg9 : memref<!tpu.dma_semaphore, #tpu.memory_space<semaphore_mem>>) src(%dma_wait3A_106 : memref<1x2xf32, #tpu.memory_space<hbm>>) dst(%dma_wait3A_103 : memref<1x2xf32, #tpu.memory_space<vmem>>)
    %dma_wait3A_107 = arith.constant 488 : i32
    %dma_wait3A_108 = arith.constant 0 : i32
    %dma_wait3A_109 = tpu.memref_slice %arg6[%dma_wait3A_107, %dma_wait3A_108] : memref<512x2xf32, #tpu.memory_space<vmem>> -> memref<1x2xf32, #tpu.memory_space<vmem>>
    %dma_wait3A_110 = arith.constant 0 : i32
    %dma_wait3A_111 = arith.constant 0 : i32
    %dma_wait3A_112 = tpu.memref_slice %arg2[%dma_wait3A_110, %dma_wait3A_111] : memref<1000000x2xf32, #tpu.memory_space<hbm>> -> memref<1x2xf32, #tpu.memory_space<hbm>>
    %dma_wait3A_113 = arith.constant 488 : i32
    %dma_wait3A_114 = arith.constant 0 : i32
    %dma_wait3A_115 = tpu.memref_slice %arg6[%dma_wait3A_113, %dma_wait3A_114] : memref<512x2xf32, #tpu.memory_space<vmem>> -> memref<1x2xf32, #tpu.memory_space<vmem>>
    %dma_wait3A_116 = arith.constant 0 : i32
    %dma_wait3A_117 = arith.constant 0 : i32
    %dma_wait3A_118 = tpu.memref_slice %arg2[%dma_wait3A_116, %dma_wait3A_117] : memref<1000000x2xf32, #tpu.memory_space<hbm>> -> memref<1x2xf32, #tpu.memory_space<hbm>>
    tpu.wait_dma2 semaphore(%arg9 : memref<!tpu.dma_semaphore, #tpu.memory_space<semaphore_mem>>) src(%dma_wait3A_118 : memref<1x2xf32, #tpu.memory_space<hbm>>) dst(%dma_wait3A_115 : memref<1x2xf32, #tpu.memory_space<vmem>>)
    %dma_wait3A_119 = arith.constant 489 : i32
    %dma_wait3A_120 = arith.constant 0 : i32
    %dma_wait3A_121 = tpu.memref_slice %arg6[%dma_wait3A_119, %dma_wait3A_120] : memref<512x2xf32, #tpu.memory_space<vmem>> -> memref<1x2xf32, #tpu.memory_space<vmem>>
    %dma_wait3A_122 = arith.constant 0 : i32
    %dma_wait3A_123 = arith.constant 0 : i32
    %dma_wait3A_124 = tpu.memref_slice %arg2[%dma_wait3A_122, %dma_wait3A_123] : memref<1000000x2xf32, #tpu.memory_space<hbm>> -> memref<1x2xf32, #tpu.memory_space<hbm>>
    %dma_wait3A_125 = arith.constant 489 : i32
    %dma_wait3A_126 = arith.constant 0 : i32
    %dma_wait3A_127 = tpu.memref_slice %arg6[%dma_wait3A_125, %dma_wait3A_126] : memref<512x2xf32, #tpu.memory_space<vmem>> -> memref<1x2xf32, #tpu.memory_space<vmem>>
    %dma_wait3A_128 = arith.constant 0 : i32
    %dma_wait3A_129 = arith.constant 0 : i32
    %dma_wait3A_130 = tpu.memref_slice %arg2[%dma_wait3A_128, %dma_wait3A_129] : memref<1000000x2xf32, #tpu.memory_space<hbm>> -> memref<1x2xf32, #tpu.memory_space<hbm>>
    tpu.wait_dma2 semaphore(%arg9 : memref<!tpu.dma_semaphore, #tpu.memory_space<semaphore_mem>>) src(%dma_wait3A_130 : memref<1x2xf32, #tpu.memory_space<hbm>>) dst(%dma_wait3A_127 : memref<1x2xf32, #tpu.memory_space<vmem>>)
    %dma_wait3A_131 = arith.constant 490 : i32
    %dma_wait3A_132 = arith.constant 0 : i32
    %dma_wait3A_133 = tpu.memref_slice %arg6[%dma_wait3A_131, %dma_wait3A_132] : memref<512x2xf32, #tpu.memory_space<vmem>> -> memref<1x2xf32, #tpu.memory_space<vmem>>
    %dma_wait3A_134 = arith.constant 0 : i32
    %dma_wait3A_135 = arith.constant 0 : i32
    %dma_wait3A_136 = tpu.memref_slice %arg2[%dma_wait3A_134, %dma_wait3A_135] : memref<1000000x2xf32, #tpu.memory_space<hbm>> -> memref<1x2xf32, #tpu.memory_space<hbm>>
    %dma_wait3A_137 = arith.constant 490 : i32
    %dma_wait3A_138 = arith.constant 0 : i32
    %dma_wait3A_139 = tpu.memref_slice %arg6[%dma_wait3A_137, %dma_wait3A_138] : memref<512x2xf32, #tpu.memory_space<vmem>> -> memref<1x2xf32, #tpu.memory_space<vmem>>
    %dma_wait3A_140 = arith.constant 0 : i32
    %dma_wait3A_141 = arith.constant 0 : i32
    %dma_wait3A_142 = tpu.memref_slice %arg2[%dma_wait3A_140, %dma_wait3A_141] : memref<1000000x2xf32, #tpu.memory_space<hbm>> -> memref<1x2xf32, #tpu.memory_space<hbm>>
    tpu.wait_dma2 semaphore(%arg9 : memref<!tpu.dma_semaphore, #tpu.memory_space<semaphore_mem>>) src(%dma_wait3A_142 : memref<1x2xf32, #tpu.memory_space<hbm>>) dst(%dma_wait3A_139 : memref<1x2xf32, #tpu.memory_space<vmem>>)
    %dma_wait3A_143 = arith.constant 491 : i32
    %dma_wait3A_144 = arith.constant 0 : i32
    %dma_wait3A_145 = tpu.memref_slice %arg6[%dma_wait3A_143, %dma_wait3A_144] : memref<512x2xf32, #tpu.memory_space<vmem>> -> memref<1x2xf32, #tpu.memory_space<vmem>>
    %dma_wait3A_146 = arith.constant 0 : i32
    %dma_wait3A_147 = arith.constant 0 : i32
    %dma_wait3A_148 = tpu.memref_slice %arg2[%dma_wait3A_146, %dma_wait3A_147] : memref<1000000x2xf32, #tpu.memory_space<hbm>> -> memref<1x2xf32, #tpu.memory_space<hbm>>
    %dma_wait3A_149 = arith.constant 491 : i32
    %dma_wait3A_150 = arith.constant 0 : i32
    %dma_wait3A_151 = tpu.memref_slice %arg6[%dma_wait3A_149, %dma_wait3A_150] : memref<512x2xf32, #tpu.memory_space<vmem>> -> memref<1x2xf32, #tpu.memory_space<vmem>>
    %dma_wait3A_152 = arith.constant 0 : i32
    %dma_wait3A_153 = arith.constant 0 : i32
    %dma_wait3A_154 = tpu.memref_slice %arg2[%dma_wait3A_152, %dma_wait3A_153] : memref<1000000x2xf32, #tpu.memory_space<hbm>> -> memref<1x2xf32, #tpu.memory_space<hbm>>
    tpu.wait_dma2 semaphore(%arg9 : memref<!tpu.dma_semaphore, #tpu.memory_space<semaphore_mem>>) src(%dma_wait3A_154 : memref<1x2xf32, #tpu.memory_space<hbm>>) dst(%dma_wait3A_151 : memref<1x2xf32, #tpu.memory_space<vmem>>)
    %dma_wait3A_155 = arith.constant 492 : i32
    %dma_wait3A_156 = arith.constant 0 : i32
    %dma_wait3A_157 = tpu.memref_slice %arg6[%dma_wait3A_155, %dma_wait3A_156] : memref<512x2xf32, #tpu.memory_space<vmem>> -> memref<1x2xf32, #tpu.memory_space<vmem>>
    %dma_wait3A_158 = arith.constant 0 : i32
    %dma_wait3A_159 = arith.constant 0 : i32
    %dma_wait3A_160 = tpu.memref_slice %arg2[%dma_wait3A_158, %dma_wait3A_159] : memref<1000000x2xf32, #tpu.memory_space<hbm>> -> memref<1x2xf32, #tpu.memory_space<hbm>>
    %dma_wait3A_161 = arith.constant 492 : i32
    %dma_wait3A_162 = arith.constant 0 : i32
    %dma_wait3A_163 = tpu.memref_slice %arg6[%dma_wait3A_161, %dma_wait3A_162] : memref<512x2xf32, #tpu.memory_space<vmem>> -> memref<1x2xf32, #tpu.memory_space<vmem>>
    %dma_wait3A_164 = arith.constant 0 : i32
    %dma_wait3A_165 = arith.constant 0 : i32
    %dma_wait3A_166 = tpu.memref_slice %arg2[%dma_wait3A_164, %dma_wait3A_165] : memref<1000000x2xf32, #tpu.memory_space<hbm>> -> memref<1x2xf32, #tpu.memory_space<hbm>>
    tpu.wait_dma2 semaphore(%arg9 : memref<!tpu.dma_semaphore, #tpu.memory_space<semaphore_mem>>) src(%dma_wait3A_166 : memref<1x2xf32, #tpu.memory_space<hbm>>) dst(%dma_wait3A_163 : memref<1x2xf32, #tpu.memory_space<vmem>>)
    %dma_wait3A_167 = arith.constant 493 : i32
    %dma_wait3A_168 = arith.constant 0 : i32
    %dma_wait3A_169 = tpu.memref_slice %arg6[%dma_wait3A_167, %dma_wait3A_168] : memref<512x2xf32, #tpu.memory_space<vmem>> -> memref<1x2xf32, #tpu.memory_space<vmem>>
    %dma_wait3A_170 = arith.constant 0 : i32
    %dma_wait3A_171 = arith.constant 0 : i32
    %dma_wait3A_172 = tpu.memref_slice %arg2[%dma_wait3A_170, %dma_wait3A_171] : memref<1000000x2xf32, #tpu.memory_space<hbm>> -> memref<1x2xf32, #tpu.memory_space<hbm>>
    %dma_wait3A_173 = arith.constant 493 : i32
    %dma_wait3A_174 = arith.constant 0 : i32
    %dma_wait3A_175 = tpu.memref_slice %arg6[%dma_wait3A_173, %dma_wait3A_174] : memref<512x2xf32, #tpu.memory_space<vmem>> -> memref<1x2xf32, #tpu.memory_space<vmem>>
    %dma_wait3A_176 = arith.constant 0 : i32
    %dma_wait3A_177 = arith.constant 0 : i32
    %dma_wait3A_178 = tpu.memref_slice %arg2[%dma_wait3A_176, %dma_wait3A_177] : memref<1000000x2xf32, #tpu.memory_space<hbm>> -> memref<1x2xf32, #tpu.memory_space<hbm>>
    tpu.wait_dma2 semaphore(%arg9 : memref<!tpu.dma_semaphore, #tpu.memory_space<semaphore_mem>>) src(%dma_wait3A_178 : memref<1x2xf32, #tpu.memory_space<hbm>>) dst(%dma_wait3A_175 : memref<1x2xf32, #tpu.memory_space<vmem>>)
    %dma_wait3A_179 = arith.constant 494 : i32
    %dma_wait3A_180 = arith.constant 0 : i32
    %dma_wait3A_181 = tpu.memref_slice %arg6[%dma_wait3A_179, %dma_wait3A_180] : memref<512x2xf32, #tpu.memory_space<vmem>> -> memref<1x2xf32, #tpu.memory_space<vmem>>
    %dma_wait3A_182 = arith.constant 0 : i32
    %dma_wait3A_183 = arith.constant 0 : i32
    %dma_wait3A_184 = tpu.memref_slice %arg2[%dma_wait3A_182, %dma_wait3A_183] : memref<1000000x2xf32, #tpu.memory_space<hbm>> -> memref<1x2xf32, #tpu.memory_space<hbm>>
    %dma_wait3A_185 = arith.constant 494 : i32
    %dma_wait3A_186 = arith.constant 0 : i32
    %dma_wait3A_187 = tpu.memref_slice %arg6[%dma_wait3A_185, %dma_wait3A_186] : memref<512x2xf32, #tpu.memory_space<vmem>> -> memref<1x2xf32, #tpu.memory_space<vmem>>
    %dma_wait3A_188 = arith.constant 0 : i32
    %dma_wait3A_189 = arith.constant 0 : i32
    %dma_wait3A_190 = tpu.memref_slice %arg2[%dma_wait3A_188, %dma_wait3A_189] : memref<1000000x2xf32, #tpu.memory_space<hbm>> -> memref<1x2xf32, #tpu.memory_space<hbm>>
    tpu.wait_dma2 semaphore(%arg9 : memref<!tpu.dma_semaphore, #tpu.memory_space<semaphore_mem>>) src(%dma_wait3A_190 : memref<1x2xf32, #tpu.memory_space<hbm>>) dst(%dma_wait3A_187 : memref<1x2xf32, #tpu.memory_space<vmem>>)
    %dma_wait3A_191 = arith.constant 495 : i32
    %dma_wait3A_192 = arith.constant 0 : i32
    %dma_wait3A_193 = tpu.memref_slice %arg6[%dma_wait3A_191, %dma_wait3A_192] : memref<512x2xf32, #tpu.memory_space<vmem>> -> memref<1x2xf32, #tpu.memory_space<vmem>>
    %dma_wait3A_194 = arith.constant 0 : i32
    %dma_wait3A_195 = arith.constant 0 : i32
    %dma_wait3A_196 = tpu.memref_slice %arg2[%dma_wait3A_194, %dma_wait3A_195] : memref<1000000x2xf32, #tpu.memory_space<hbm>> -> memref<1x2xf32, #tpu.memory_space<hbm>>
    %dma_wait3A_197 = arith.constant 495 : i32
    %dma_wait3A_198 = arith.constant 0 : i32
    %dma_wait3A_199 = tpu.memref_slice %arg6[%dma_wait3A_197, %dma_wait3A_198] : memref<512x2xf32, #tpu.memory_space<vmem>> -> memref<1x2xf32, #tpu.memory_space<vmem>>
    %dma_wait3A_200 = arith.constant 0 : i32
    %dma_wait3A_201 = arith.constant 0 : i32
    %dma_wait3A_202 = tpu.memref_slice %arg2[%dma_wait3A_200, %dma_wait3A_201] : memref<1000000x2xf32, #tpu.memory_space<hbm>> -> memref<1x2xf32, #tpu.memory_space<hbm>>
    tpu.wait_dma2 semaphore(%arg9 : memref<!tpu.dma_semaphore, #tpu.memory_space<semaphore_mem>>) src(%dma_wait3A_202 : memref<1x2xf32, #tpu.memory_space<hbm>>) dst(%dma_wait3A_199 : memref<1x2xf32, #tpu.memory_space<vmem>>)
    %add3A_203 = arith.constant 480 : i32
    %add3A_204 = vector.broadcast %add3A_203 : i32 to vector<16xi32>
    %add3A_205 = arith.addi %iota3A, %add3A_204 : vector<16xi32>
    %gather3A = tpu.vector_load_idx %arg6[%add3A_205, %broadcast_in_dim3A_3] : memref<512x2xf32, #tpu.memory_space<vmem>>[vector<16xi32>, vector<16xi32>], vector<16xf32>,
    %swap3A = arith.constant 480 : index
    %swap3A_206 = tpu.vector_load %arg7[%swap3A] {strides = array<i32>} : memref<512xf32, #tpu.memory_space<vmem>>, vector<16xf32>,
    tpu.vector_store %arg7[%swap3A], %gather3A {strides = array<i32>} : memref<512xf32, #tpu.memory_space<vmem>>, vector<16xf32>,
    %gather3A_207 = tpu.vector_load_idx %arg6[%add3A_205, %add3A_6] : memref<512x2xf32, #tpu.memory_space<vmem>>[vector<16xi32>, vector<16xi32>], vector<16xf32>,
    %swap3A_208 = arith.constant 480 : index
    %swap3A_209 = tpu.vector_load %arg8[%swap3A_208] {strides = array<i32>} : memref<512xf32, #tpu.memory_space<vmem>>, vector<16xf32>,
    tpu.vector_store %arg8[%swap3A_208], %gather3A_207 {strides = array<i32>} : memref<512xf32, #tpu.memory_space<vmem>>, vector<16xf32>,
    %dma_wait3A_210 = arith.constant 496 : i32
    %dma_wait3A_211 = arith.constant 0 : i32
    %dma_wait3A_212 = tpu.memref_slice %arg6[%dma_wait3A_210, %dma_wait3A_211] : memref<512x2xf32, #tpu.memory_space<vmem>> -> memref<1x2xf32, #tpu.memory_space<vmem>>
    %dma_wait3A_213 = arith.constant 0 : i32
    %dma_wait3A_214 = arith.constant 0 : i32
    %dma_wait3A_215 = tpu.memref_slice %arg2[%dma_wait3A_213, %dma_wait3A_214] : memref<1000000x2xf32, #tpu.memory_space<hbm>> -> memref<1x2xf32, #tpu.memory_space<hbm>>
    %dma_wait3A_216 = arith.constant 496 : i32
    %dma_wait3A_217 = arith.constant 0 : i32
    %dma_wait3A_218 = tpu.memref_slice %arg6[%dma_wait3A_216, %dma_wait3A_217] : memref<512x2xf32, #tpu.memory_space<vmem>> -> memref<1x2xf32, #tpu.memory_space<vmem>>
    %dma_wait3A_219 = arith.constant 0 : i32
    %dma_wait3A_220 = arith.constant 0 : i32
    %dma_wait3A_221 = tpu.memref_slice %arg2[%dma_wait3A_219, %dma_wait3A_220] : memref<1000000x2xf32, #tpu.memory_space<hbm>> -> memref<1x2xf32, #tpu.memory_space<hbm>>
    tpu.wait_dma2 semaphore(%arg9 : memref<!tpu.dma_semaphore, #tpu.memory_space<semaphore_mem>>) src(%dma_wait3A_221 : memref<1x2xf32, #tpu.memory_space<hbm>>) dst(%dma_wait3A_218 : memref<1x2xf32, #tpu.memory_space<vmem>>)
    %dma_wait3A_222 = arith.constant 497 : i32
    %dma_wait3A_223 = arith.constant 0 : i32
    %dma_wait3A_224 = tpu.memref_slice %arg6[%dma_wait3A_222, %dma_wait3A_223] : memref<512x2xf32, #tpu.memory_space<vmem>> -> memref<1x2xf32, #tpu.memory_space<vmem>>
    %dma_wait3A_225 = arith.constant 0 : i32
    %dma_wait3A_226 = arith.constant 0 : i32
    %dma_wait3A_227 = tpu.memref_slice %arg2[%dma_wait3A_225, %dma_wait3A_226] : memref<1000000x2xf32, #tpu.memory_space<hbm>> -> memref<1x2xf32, #tpu.memory_space<hbm>>
    %dma_wait3A_228 = arith.constant 497 : i32
    %dma_wait3A_229 = arith.constant 0 : i32
    %dma_wait3A_230 = tpu.memref_slice %arg6[%dma_wait3A_228, %dma_wait3A_229] : memref<512x2xf32, #tpu.memory_space<vmem>> -> memref<1x2xf32, #tpu.memory_space<vmem>>
    %dma_wait3A_231 = arith.constant 0 : i32
    %dma_wait3A_232 = arith.constant 0 : i32
    %dma_wait3A_233 = tpu.memref_slice %arg2[%dma_wait3A_231, %dma_wait3A_232] : memref<1000000x2xf32, #tpu.memory_space<hbm>> -> memref<1x2xf32, #tpu.memory_space<hbm>>
    tpu.wait_dma2 semaphore(%arg9 : memref<!tpu.dma_semaphore, #tpu.memory_space<semaphore_mem>>) src(%dma_wait3A_233 : memref<1x2xf32, #tpu.memory_space<hbm>>) dst(%dma_wait3A_230 : memref<1x2xf32, #tpu.memory_space<vmem>>)
    %dma_wait3A_234 = arith.constant 498 : i32
    %dma_wait3A_235 = arith.constant 0 : i32
    %dma_wait3A_236 = tpu.memref_slice %arg6[%dma_wait3A_234, %dma_wait3A_235] : memref<512x2xf32, #tpu.memory_space<vmem>> -> memref<1x2xf32, #tpu.memory_space<vmem>>
    %dma_wait3A_237 = arith.constant 0 : i32
    %dma_wait3A_238 = arith.constant 0 : i32
    %dma_wait3A_239 = tpu.memref_slice %arg2[%dma_wait3A_237, %dma_wait3A_238] : memref<1000000x2xf32, #tpu.memory_space<hbm>> -> memref<1x2xf32, #tpu.memory_space<hbm>>
    %dma_wait3A_240 = arith.constant 498 : i32
    %dma_wait3A_241 = arith.constant 0 : i32
    %dma_wait3A_242 = tpu.memref_slice %arg6[%dma_wait3A_240, %dma_wait3A_241] : memref<512x2xf32, #tpu.memory_space<vmem>> -> memref<1x2xf32, #tpu.memory_space<vmem>>
    %dma_wait3A_243 = arith.constant 0 : i32
    %dma_wait3A_244 = arith.constant 0 : i32
    %dma_wait3A_245 = tpu.memref_slice %arg2[%dma_wait3A_243, %dma_wait3A_244] : memref<1000000x2xf32, #tpu.memory_space<hbm>> -> memref<1x2xf32, #tpu.memory_space<hbm>>
    tpu.wait_dma2 semaphore(%arg9 : memref<!tpu.dma_semaphore, #tpu.memory_space<semaphore_mem>>) src(%dma_wait3A_245 : memref<1x2xf32, #tpu.memory_space<hbm>>) dst(%dma_wait3A_242 : memref<1x2xf32, #tpu.memory_space<vmem>>)
    %dma_wait3A_246 = arith.constant 499 : i32
    %dma_wait3A_247 = arith.constant 0 : i32
    %dma_wait3A_248 = tpu.memref_slice %arg6[%dma_wait3A_246, %dma_wait3A_247] : memref<512x2xf32, #tpu.memory_space<vmem>> -> memref<1x2xf32, #tpu.memory_space<vmem>>
    %dma_wait3A_249 = arith.constant 0 : i32
    %dma_wait3A_250 = arith.constant 0 : i32
    %dma_wait3A_251 = tpu.memref_slice %arg2[%dma_wait3A_249, %dma_wait3A_250] : memref<1000000x2xf32, #tpu.memory_space<hbm>> -> memref<1x2xf32, #tpu.memory_space<hbm>>
    %dma_wait3A_252 = arith.constant 499 : i32
    %dma_wait3A_253 = arith.constant 0 : i32
    %dma_wait3A_254 = tpu.memref_slice %arg6[%dma_wait3A_252, %dma_wait3A_253] : memref<512x2xf32, #tpu.memory_space<vmem>> -> memref<1x2xf32, #tpu.memory_space<vmem>>
    %dma_wait3A_255 = arith.constant 0 : i32
    %dma_wait3A_256 = arith.constant 0 : i32
    %dma_wait3A_257 = tpu.memref_slice %arg2[%dma_wait3A_255, %dma_wait3A_256] : memref<1000000x2xf32, #tpu.memory_space<hbm>> -> memref<1x2xf32, #tpu.memory_space<hbm>>
    tpu.wait_dma2 semaphore(%arg9 : memref<!tpu.dma_semaphore, #tpu.memory_space<semaphore_mem>>) src(%dma_wait3A_257 : memref<1x2xf32, #tpu.memory_space<hbm>>) dst(%dma_wait3A_254 : memref<1x2xf32, #tpu.memory_space<vmem>>)
    %dma_wait3A_258 = arith.constant 500 : i32
    %dma_wait3A_259 = arith.constant 0 : i32
    %dma_wait3A_260 = tpu.memref_slice %arg6[%dma_wait3A_258, %dma_wait3A_259] : memref<512x2xf32, #tpu.memory_space<vmem>> -> memref<1x2xf32, #tpu.memory_space<vmem>>
    %dma_wait3A_261 = arith.constant 0 : i32
    %dma_wait3A_262 = arith.constant 0 : i32
    %dma_wait3A_263 = tpu.memref_slice %arg2[%dma_wait3A_261, %dma_wait3A_262] : memref<1000000x2xf32, #tpu.memory_space<hbm>> -> memref<1x2xf32, #tpu.memory_space<hbm>>
    %dma_wait3A_264 = arith.constant 500 : i32
    %dma_wait3A_265 = arith.constant 0 : i32
    %dma_wait3A_266 = tpu.memref_slice %arg6[%dma_wait3A_264, %dma_wait3A_265] : memref<512x2xf32, #tpu.memory_space<vmem>> -> memref<1x2xf32, #tpu.memory_space<vmem>>
    %dma_wait3A_267 = arith.constant 0 : i32
    %dma_wait3A_268 = arith.constant 0 : i32
    %dma_wait3A_269 = tpu.memref_slice %arg2[%dma_wait3A_267, %dma_wait3A_268] : memref<1000000x2xf32, #tpu.memory_space<hbm>> -> memref<1x2xf32, #tpu.memory_space<hbm>>
    tpu.wait_dma2 semaphore(%arg9 : memref<!tpu.dma_semaphore, #tpu.memory_space<semaphore_mem>>) src(%dma_wait3A_269 : memref<1x2xf32, #tpu.memory_space<hbm>>) dst(%dma_wait3A_266 : memref<1x2xf32, #tpu.memory_space<vmem>>)
    %dma_wait3A_270 = arith.constant 501 : i32
    %dma_wait3A_271 = arith.constant 0 : i32
    %dma_wait3A_272 = tpu.memref_slice %arg6[%dma_wait3A_270, %dma_wait3A_271] : memref<512x2xf32, #tpu.memory_space<vmem>> -> memref<1x2xf32, #tpu.memory_space<vmem>>
    %dma_wait3A_273 = arith.constant 0 : i32
    %dma_wait3A_274 = arith.constant 0 : i32
    %dma_wait3A_275 = tpu.memref_slice %arg2[%dma_wait3A_273, %dma_wait3A_274] : memref<1000000x2xf32, #tpu.memory_space<hbm>> -> memref<1x2xf32, #tpu.memory_space<hbm>>
    %dma_wait3A_276 = arith.constant 501 : i32
    %dma_wait3A_277 = arith.constant 0 : i32
    %dma_wait3A_278 = tpu.memref_slice %arg6[%dma_wait3A_276, %dma_wait3A_277] : memref<512x2xf32, #tpu.memory_space<vmem>> -> memref<1x2xf32, #tpu.memory_space<vmem>>
    %dma_wait3A_279 = arith.constant 0 : i32
    %dma_wait3A_280 = arith.constant 0 : i32
    %dma_wait3A_281 = tpu.memref_slice %arg2[%dma_wait3A_279, %dma_wait3A_280] : memref<1000000x2xf32, #tpu.memory_space<hbm>> -> memref<1x2xf32, #tpu.memory_space<hbm>>
    tpu.wait_dma2 semaphore(%arg9 : memref<!tpu.dma_semaphore, #tpu.memory_space<semaphore_mem>>) src(%dma_wait3A_281 : memref<1x2xf32, #tpu.memory_space<hbm>>) dst(%dma_wait3A_278 : memref<1x2xf32, #tpu.memory_space<vmem>>)
    %dma_wait3A_282 = arith.constant 502 : i32
    %dma_wait3A_283 = arith.constant 0 : i32
    %dma_wait3A_284 = tpu.memref_slice %arg6[%dma_wait3A_282, %dma_wait3A_283] : memref<512x2xf32, #tpu.memory_space<vmem>> -> memref<1x2xf32, #tpu.memory_space<vmem>>
    %dma_wait3A_285 = arith.constant 0 : i32
    %dma_wait3A_286 = arith.constant 0 : i32
    %dma_wait3A_287 = tpu.memref_slice %arg2[%dma_wait3A_285, %dma_wait3A_286] : memref<1000000x2xf32, #tpu.memory_space<hbm>> -> memref<1x2xf32, #tpu.memory_space<hbm>>
    %dma_wait3A_288 = arith.constant 502 : i32
    %dma_wait3A_289 = arith.constant 0 : i32
    %dma_wait3A_290 = tpu.memref_slice %arg6[%dma_wait3A_288, %dma_wait3A_289] : memref<512x2xf32, #tpu.memory_space<vmem>> -> memref<1x2xf32, #tpu.memory_space<vmem>>
    %dma_wait3A_291 = arith.constant 0 : i32
    %dma_wait3A_292 = arith.constant 0 : i32
    %dma_wait3A_293 = tpu.memref_slice %arg2[%dma_wait3A_291, %dma_wait3A_292] : memref<1000000x2xf32, #tpu.memory_space<hbm>> -> memref<1x2xf32, #tpu.memory_space<hbm>>
    tpu.wait_dma2 semaphore(%arg9 : memref<!tpu.dma_semaphore, #tpu.memory_space<semaphore_mem>>) src(%dma_wait3A_293 : memref<1x2xf32, #tpu.memory_space<hbm>>) dst(%dma_wait3A_290 : memref<1x2xf32, #tpu.memory_space<vmem>>)
    %dma_wait3A_294 = arith.constant 503 : i32
    %dma_wait3A_295 = arith.constant 0 : i32
    %dma_wait3A_296 = tpu.memref_slice %arg6[%dma_wait3A_294, %dma_wait3A_295] : memref<512x2xf32, #tpu.memory_space<vmem>> -> memref<1x2xf32, #tpu.memory_space<vmem>>
    %dma_wait3A_297 = arith.constant 0 : i32
    %dma_wait3A_298 = arith.constant 0 : i32
    %dma_wait3A_299 = tpu.memref_slice %arg2[%dma_wait3A_297, %dma_wait3A_298] : memref<1000000x2xf32, #tpu.memory_space<hbm>> -> memref<1x2xf32, #tpu.memory_space<hbm>>
    %dma_wait3A_300 = arith.constant 503 : i32
    %dma_wait3A_301 = arith.constant 0 : i32
    %dma_wait3A_302 = tpu.memref_slice %arg6[%dma_wait3A_300, %dma_wait3A_301] : memref<512x2xf32, #tpu.memory_space<vmem>> -> memref<1x2xf32, #tpu.memory_space<vmem>>
    %dma_wait3A_303 = arith.constant 0 : i32
    %dma_wait3A_304 = arith.constant 0 : i32
    %dma_wait3A_305 = tpu.memref_slice %arg2[%dma_wait3A_303, %dma_wait3A_304] : memref<1000000x2xf32, #tpu.memory_space<hbm>> -> memref<1x2xf32, #tpu.memory_space<hbm>>
    tpu.wait_dma2 semaphore(%arg9 : memref<!tpu.dma_semaphore, #tpu.memory_space<semaphore_mem>>) src(%dma_wait3A_305 : memref<1x2xf32, #tpu.memory_space<hbm>>) dst(%dma_wait3A_302 : memref<1x2xf32, #tpu.memory_space<vmem>>)
    %dma_wait3A_306 = arith.constant 504 : i32
    %dma_wait3A_307 = arith.constant 0 : i32
    %dma_wait3A_308 = tpu.memref_slice %arg6[%dma_wait3A_306, %dma_wait3A_307] : memref<512x2xf32, #tpu.memory_space<vmem>> -> memref<1x2xf32, #tpu.memory_space<vmem>>
    %dma_wait3A_309 = arith.constant 0 : i32
    %dma_wait3A_310 = arith.constant 0 : i32
    %dma_wait3A_311 = tpu.memref_slice %arg2[%dma_wait3A_309, %dma_wait3A_310] : memref<1000000x2xf32, #tpu.memory_space<hbm>> -> memref<1x2xf32, #tpu.memory_space<hbm>>
    %dma_wait3A_312 = arith.constant 504 : i32
    %dma_wait3A_313 = arith.constant 0 : i32
    %dma_wait3A_314 = tpu.memref_slice %arg6[%dma_wait3A_312, %dma_wait3A_313] : memref<512x2xf32, #tpu.memory_space<vmem>> -> memref<1x2xf32, #tpu.memory_space<vmem>>
    %dma_wait3A_315 = arith.constant 0 : i32
    %dma_wait3A_316 = arith.constant 0 : i32
    %dma_wait3A_317 = tpu.memref_slice %arg2[%dma_wait3A_315, %dma_wait3A_316] : memref<1000000x2xf32, #tpu.memory_space<hbm>> -> memref<1x2xf32, #tpu.memory_space<hbm>>
    tpu.wait_dma2 semaphore(%arg9 : memref<!tpu.dma_semaphore, #tpu.memory_space<semaphore_mem>>) src(%dma_wait3A_317 : memref<1x2xf32, #tpu.memory_space<hbm>>) dst(%dma_wait3A_314 : memref<1x2xf32, #tpu.memory_space<vmem>>)
    %dma_wait3A_318 = arith.constant 505 : i32
    %dma_wait3A_319 = arith.constant 0 : i32
    %dma_wait3A_320 = tpu.memref_slice %arg6[%dma_wait3A_318, %dma_wait3A_319] : memref<512x2xf32, #tpu.memory_space<vmem>> -> memref<1x2xf32, #tpu.memory_space<vmem>>
    %dma_wait3A_321 = arith.constant 0 : i32
    %dma_wait3A_322 = arith.constant 0 : i32
    %dma_wait3A_323 = tpu.memref_slice %arg2[%dma_wait3A_321, %dma_wait3A_322] : memref<1000000x2xf32, #tpu.memory_space<hbm>> -> memref<1x2xf32, #tpu.memory_space<hbm>>
    %dma_wait3A_324 = arith.constant 505 : i32
    %dma_wait3A_325 = arith.constant 0 : i32
    %dma_wait3A_326 = tpu.memref_slice %arg6[%dma_wait3A_324, %dma_wait3A_325] : memref<512x2xf32, #tpu.memory_space<vmem>> -> memref<1x2xf32, #tpu.memory_space<vmem>>
    %dma_wait3A_327 = arith.constant 0 : i32
    %dma_wait3A_328 = arith.constant 0 : i32
    %dma_wait3A_329 = tpu.memref_slice %arg2[%dma_wait3A_327, %dma_wait3A_328] : memref<1000000x2xf32, #tpu.memory_space<hbm>> -> memref<1x2xf32, #tpu.memory_space<hbm>>
    tpu.wait_dma2 semaphore(%arg9 : memref<!tpu.dma_semaphore, #tpu.memory_space<semaphore_mem>>) src(%dma_wait3A_329 : memref<1x2xf32, #tpu.memory_space<hbm>>) dst(%dma_wait3A_326 : memref<1x2xf32, #tpu.memory_space<vmem>>)
    %dma_wait3A_330 = arith.constant 506 : i32
    %dma_wait3A_331 = arith.constant 0 : i32
    %dma_wait3A_332 = tpu.memref_slice %arg6[%dma_wait3A_330, %dma_wait3A_331] : memref<512x2xf32, #tpu.memory_space<vmem>> -> memref<1x2xf32, #tpu.memory_space<vmem>>
    %dma_wait3A_333 = arith.constant 0 : i32
    %dma_wait3A_334 = arith.constant 0 : i32
    %dma_wait3A_335 = tpu.memref_slice %arg2[%dma_wait3A_333, %dma_wait3A_334] : memref<1000000x2xf32, #tpu.memory_space<hbm>> -> memref<1x2xf32, #tpu.memory_space<hbm>>
    %dma_wait3A_336 = arith.constant 506 : i32
    %dma_wait3A_337 = arith.constant 0 : i32
    %dma_wait3A_338 = tpu.memref_slice %arg6[%dma_wait3A_336, %dma_wait3A_337] : memref<512x2xf32, #tpu.memory_space<vmem>> -> memref<1x2xf32, #tpu.memory_space<vmem>>
    %dma_wait3A_339 = arith.constant 0 : i32
    %dma_wait3A_340 = arith.constant 0 : i32
    %dma_wait3A_341 = tpu.memref_slice %arg2[%dma_wait3A_339, %dma_wait3A_340] : memref<1000000x2xf32, #tpu.memory_space<hbm>> -> memref<1x2xf32, #tpu.memory_space<hbm>>
    tpu.wait_dma2 semaphore(%arg9 : memref<!tpu.dma_semaphore, #tpu.memory_space<semaphore_mem>>) src(%dma_wait3A_341 : memref<1x2xf32, #tpu.memory_space<hbm>>) dst(%dma_wait3A_338 : memref<1x2xf32, #tpu.memory_space<vmem>>)
    %dma_wait3A_342 = arith.constant 507 : i32
    %dma_wait3A_343 = arith.constant 0 : i32
    %dma_wait3A_344 = tpu.memref_slice %arg6[%dma_wait3A_342, %dma_wait3A_343] : memref<512x2xf32, #tpu.memory_space<vmem>> -> memref<1x2xf32, #tpu.memory_space<vmem>>
    %dma_wait3A_345 = arith.constant 0 : i32
    %dma_wait3A_346 = arith.constant 0 : i32
    %dma_wait3A_347 = tpu.memref_slice %arg2[%dma_wait3A_345, %dma_wait3A_346] : memref<1000000x2xf32, #tpu.memory_space<hbm>> -> memref<1x2xf32, #tpu.memory_space<hbm>>
    %dma_wait3A_348 = arith.constant 507 : i32
    %dma_wait3A_349 = arith.constant 0 : i32
    %dma_wait3A_350 = tpu.memref_slice %arg6[%dma_wait3A_348, %dma_wait3A_349] : memref<512x2xf32, #tpu.memory_space<vmem>> -> memref<1x2xf32, #tpu.memory_space<vmem>>
    %dma_wait3A_351 = arith.constant 0 : i32
    %dma_wait3A_352 = arith.constant 0 : i32
    %dma_wait3A_353 = tpu.memref_slice %arg2[%dma_wait3A_351, %dma_wait3A_352] : memref<1000000x2xf32, #tpu.memory_space<hbm>> -> memref<1x2xf32, #tpu.memory_space<hbm>>
    tpu.wait_dma2 semaphore(%arg9 : memref<!tpu.dma_semaphore, #tpu.memory_space<semaphore_mem>>) src(%dma_wait3A_353 : memref<1x2xf32, #tpu.memory_space<hbm>>) dst(%dma_wait3A_350 : memref<1x2xf32, #tpu.memory_space<vmem>>)
    %dma_wait3A_354 = arith.constant 508 : i32
    %dma_wait3A_355 = arith.constant 0 : i32
    %dma_wait3A_356 = tpu.memref_slice %arg6[%dma_wait3A_354, %dma_wait3A_355] : memref<512x2xf32, #tpu.memory_space<vmem>> -> memref<1x2xf32, #tpu.memory_space<vmem>>
    %dma_wait3A_357 = arith.constant 0 : i32
    %dma_wait3A_358 = arith.constant 0 : i32
    %dma_wait3A_359 = tpu.memref_slice %arg2[%dma_wait3A_357, %dma_wait3A_358] : memref<1000000x2xf32, #tpu.memory_space<hbm>> -> memref<1x2xf32, #tpu.memory_space<hbm>>
    %dma_wait3A_360 = arith.constant 508 : i32
    %dma_wait3A_361 = arith.constant 0 : i32
    %dma_wait3A_362 = tpu.memref_slice %arg6[%dma_wait3A_360, %dma_wait3A_361] : memref<512x2xf32, #tpu.memory_space<vmem>> -> memref<1x2xf32, #tpu.memory_space<vmem>>
    %dma_wait3A_363 = arith.constant 0 : i32
    %dma_wait3A_364 = arith.constant 0 : i32
    %dma_wait3A_365 = tpu.memref_slice %arg2[%dma_wait3A_363, %dma_wait3A_364] : memref<1000000x2xf32, #tpu.memory_space<hbm>> -> memref<1x2xf32, #tpu.memory_space<hbm>>
    tpu.wait_dma2 semaphore(%arg9 : memref<!tpu.dma_semaphore, #tpu.memory_space<semaphore_mem>>) src(%dma_wait3A_365 : memref<1x2xf32, #tpu.memory_space<hbm>>) dst(%dma_wait3A_362 : memref<1x2xf32, #tpu.memory_space<vmem>>)
    %dma_wait3A_366 = arith.constant 509 : i32
    %dma_wait3A_367 = arith.constant 0 : i32
    %dma_wait3A_368 = tpu.memref_slice %arg6[%dma_wait3A_366, %dma_wait3A_367] : memref<512x2xf32, #tpu.memory_space<vmem>> -> memref<1x2xf32, #tpu.memory_space<vmem>>
    %dma_wait3A_369 = arith.constant 0 : i32
    %dma_wait3A_370 = arith.constant 0 : i32
    %dma_wait3A_371 = tpu.memref_slice %arg2[%dma_wait3A_369, %dma_wait3A_370] : memref<1000000x2xf32, #tpu.memory_space<hbm>> -> memref<1x2xf32, #tpu.memory_space<hbm>>
    %dma_wait3A_372 = arith.constant 509 : i32
    %dma_wait3A_373 = arith.constant 0 : i32
    %dma_wait3A_374 = tpu.memref_slice %arg6[%dma_wait3A_372, %dma_wait3A_373] : memref<512x2xf32, #tpu.memory_space<vmem>> -> memref<1x2xf32, #tpu.memory_space<vmem>>
    %dma_wait3A_375 = arith.constant 0 : i32
    %dma_wait3A_376 = arith.constant 0 : i32
    %dma_wait3A_377 = tpu.memref_slice %arg2[%dma_wait3A_375, %dma_wait3A_376] : memref<1000000x2xf32, #tpu.memory_space<hbm>> -> memref<1x2xf32, #tpu.memory_space<hbm>>
    tpu.wait_dma2 semaphore(%arg9 : memref<!tpu.dma_semaphore, #tpu.memory_space<semaphore_mem>>) src(%dma_wait3A_377 : memref<1x2xf32, #tpu.memory_space<hbm>>) dst(%dma_wait3A_374 : memref<1x2xf32, #tpu.memory_space<vmem>>)
    %dma_wait3A_378 = arith.constant 510 : i32
    %dma_wait3A_379 = arith.constant 0 : i32
    %dma_wait3A_380 = tpu.memref_slice %arg6[%dma_wait3A_378, %dma_wait3A_379] : memref<512x2xf32, #tpu.memory_space<vmem>> -> memref<1x2xf32, #tpu.memory_space<vmem>>
    %dma_wait3A_381 = arith.constant 0 : i32
    %dma_wait3A_382 = arith.constant 0 : i32
    %dma_wait3A_383 = tpu.memref_slice %arg2[%dma_wait3A_381, %dma_wait3A_382] : memref<1000000x2xf32, #tpu.memory_space<hbm>> -> memref<1x2xf32, #tpu.memory_space<hbm>>
    %dma_wait3A_384 = arith.constant 510 : i32
    %dma_wait3A_385 = arith.constant 0 : i32
    %dma_wait3A_386 = tpu.memref_slice %arg6[%dma_wait3A_384, %dma_wait3A_385] : memref<512x2xf32, #tpu.memory_space<vmem>> -> memref<1x2xf32, #tpu.memory_space<vmem>>
    %dma_wait3A_387 = arith.constant 0 : i32
    %dma_wait3A_388 = arith.constant 0 : i32
    %dma_wait3A_389 = tpu.memref_slice %arg2[%dma_wait3A_387, %dma_wait3A_388] : memref<1000000x2xf32, #tpu.memory_space<hbm>> -> memref<1x2xf32, #tpu.memory_space<hbm>>
    tpu.wait_dma2 semaphore(%arg9 : memref<!tpu.dma_semaphore, #tpu.memory_space<semaphore_mem>>) src(%dma_wait3A_389 : memref<1x2xf32, #tpu.memory_space<hbm>>) dst(%dma_wait3A_386 : memref<1x2xf32, #tpu.memory_space<vmem>>)
    %dma_wait3A_390 = arith.constant 511 : i32
    %dma_wait3A_391 = arith.constant 0 : i32
    %dma_wait3A_392 = tpu.memref_slice %arg6[%dma_wait3A_390, %dma_wait3A_391] : memref<512x2xf32, #tpu.memory_space<vmem>> -> memref<1x2xf32, #tpu.memory_space<vmem>>
    %dma_wait3A_393 = arith.constant 0 : i32
    %dma_wait3A_394 = arith.constant 0 : i32
    %dma_wait3A_395 = tpu.memref_slice %arg2[%dma_wait3A_393, %dma_wait3A_394] : memref<1000000x2xf32, #tpu.memory_space<hbm>> -> memref<1x2xf32, #tpu.memory_space<hbm>>
    %dma_wait3A_396 = arith.constant 511 : i32
    %dma_wait3A_397 = arith.constant 0 : i32
    %dma_wait3A_398 = tpu.memref_slice %arg6[%dma_wait3A_396, %dma_wait3A_397] : memref<512x2xf32, #tpu.memory_space<vmem>> -> memref<1x2xf32, #tpu.memory_space<vmem>>
    %dma_wait3A_399 = arith.constant 0 : i32
    %dma_wait3A_400 = arith.constant 0 : i32
    %dma_wait3A_401 = tpu.memref_slice %arg2[%dma_wait3A_399, %dma_wait3A_400] : memref<1000000x2xf32, #tpu.memory_space<hbm>> -> memref<1x2xf32, #tpu.memory_space<hbm>>
    tpu.wait_dma2 semaphore(%arg9 : memref<!tpu.dma_semaphore, #tpu.memory_space<semaphore_mem>>) src(%dma_wait3A_401 : memref<1x2xf32, #tpu.memory_space<hbm>>) dst(%dma_wait3A_398 : memref<1x2xf32, #tpu.memory_space<vmem>>)
    %add3A_402 = arith.constant 496 : i32
    %add3A_403 = vector.broadcast %add3A_402 : i32 to vector<16xi32>
    %add3A_404 = arith.addi %iota3A, %add3A_403 : vector<16xi32>
    %gather3A_405 = tpu.vector_load_idx %arg6[%add3A_404, %broadcast_in_dim3A_3] : memref<512x2xf32, #tpu.memory_space<vmem>>[vector<16xi32>, vector<16xi32>], vector<16xf32>,
    %swap3A_406 = arith.constant 496 : index
    %swap3A_407 = tpu.vector_load %arg7[%swap3A_406] {strides = array<i32>} : memref<512xf32, #tpu.memory_space<vmem>>, vector<16xf32>,
    tpu.vector_store %arg7[%swap3A_406], %gather3A_405 {strides = array<i32>} : memref<512xf32, #tpu.memory_space<vmem>>, vector<16xf32>,
    %gather3A_408 = tpu.vector_load_idx %arg6[%add3A_404, %add3A_6] : memref<512x2xf32, #tpu.memory_space<vmem>>[vector<16xi32>, vector<16xi32>], vector<16xf32>,
    %swap3A_409 = arith.constant 496 : index
    %swap3A_410 = tpu.vector_load %arg8[%swap3A_409] {strides = array<i32>} : memref<512xf32, #tpu.memory_space<vmem>>, vector<16xf32>,
    tpu.vector_store %arg8[%swap3A_409], %gather3A_408 {strides = array<i32>} : memref<512xf32, #tpu.memory_space<vmem>>, vector<16xf32>,
    %run_scoped3A = arith.constant 0 : i32
    "tpu.region"() ({
      %run_scoped3A_412 = tpu.sem_alloc : memref<!tpu.dma_semaphore, #tpu.memory_space<semaphore_mem>>
      %dma_start3A = tpu.memref_slice %arg4[%run_scoped3A, %mul3A_2] : memref<2x16384xf32, #tpu.memory_space<hbm>> -> memref<1x512xf32, #tpu.memory_space<hbm>>
      %dma_start3A_413 = tpu.memref_squeeze %dma_start3A : memref<1x512xf32, #tpu.memory_space<hbm>> -> memref<512xf32, #tpu.memory_space<hbm>>
      %dma_start3A_414 = tpu.memref_slice %arg4[%run_scoped3A, %mul3A_2] : memref<2x16384xf32, #tpu.memory_space<hbm>> -> memref<1x512xf32, #tpu.memory_space<hbm>>
      %dma_start3A_415 = tpu.memref_squeeze %dma_start3A_414 : memref<1x512xf32, #tpu.memory_space<hbm>> -> memref<512xf32, #tpu.memory_space<hbm>>
      tpu.enqueue_dma source(%arg7 : memref<512xf32, #tpu.memory_space<vmem>>) target(%dma_start3A_415 : memref<512xf32, #tpu.memory_space<hbm>>) target_semaphore(%run_scoped3A_412 : memref<!tpu.dma_semaphore, #tpu.memory_space<semaphore_mem>>)
      %dma_wait3A_416 = tpu.memref_slice %arg4[%run_scoped3A, %mul3A_2] : memref<2x16384xf32, #tpu.memory_space<hbm>> -> memref<1x512xf32, #tpu.memory_space<hbm>>
      %dma_wait3A_417 = tpu.memref_squeeze %dma_wait3A_416 : memref<1x512xf32, #tpu.memory_space<hbm>> -> memref<512xf32, #tpu.memory_space<hbm>>
      %dma_wait3A_418 = tpu.memref_slice %arg4[%run_scoped3A, %mul3A_2] : memref<2x16384xf32, #tpu.memory_space<hbm>> -> memref<1x512xf32, #tpu.memory_space<hbm>>
      %dma_wait3A_419 = tpu.memref_squeeze %dma_wait3A_418 : memref<1x512xf32, #tpu.memory_space<hbm>> -> memref<512xf32, #tpu.memory_space<hbm>>
      tpu.wait_dma2 semaphore(%run_scoped3A_412 : memref<!tpu.dma_semaphore, #tpu.memory_space<semaphore_mem>>) src(%arg7 : memref<512xf32, #tpu.memory_space<vmem>>) dst(%dma_wait3A_419 : memref<512xf32, #tpu.memory_space<hbm>>)
      tpu.yield
    }) : () -> ()
    %run_scoped3A_411 = arith.constant 1 : i32
    "tpu.region"() ({
      %run_scoped3A_412 = tpu.sem_alloc : memref<!tpu.dma_semaphore, #tpu.memory_space<semaphore_mem>>
      %dma_start3A = tpu.memref_slice %arg4[%run_scoped3A_411, %mul3A_2] : memref<2x16384xf32, #tpu.memory_space<hbm>> -> memref<1x512xf32, #tpu.memory_space<hbm>>
      %dma_start3A_413 = tpu.memref_squeeze %dma_start3A : memref<1x512xf32, #tpu.memory_space<hbm>> -> memref<512xf32, #tpu.memory_space<hbm>>
      %dma_start3A_414 = tpu.memref_slice %arg4[%run_scoped3A_411, %mul3A_2] : memref<2x16384xf32, #tpu.memory_space<hbm>> -> memref<1x512xf32, #tpu.memory_space<hbm>>
      %dma_start3A_415 = tpu.memref_squeeze %dma_start3A_414 : memref<1x512xf32, #tpu.memory_space<hbm>> -> memref<512xf32, #tpu.memory_space<hbm>>
      tpu.enqueue_dma source(%arg8 : memref<512xf32, #tpu.memory_space<vmem>>) target(%dma_start3A_415 : memref<512xf32, #tpu.memory_space<hbm>>) target_semaphore(%run_scoped3A_412 : memref<!tpu.dma_semaphore, #tpu.memory_space<semaphore_mem>>)
      %dma_wait3A_416 = tpu.memref_slice %arg4[%run_scoped3A_411, %mul3A_2] : memref<2x16384xf32, #tpu.memory_space<hbm>> -> memref<1x512xf32, #tpu.memory_space<hbm>>
      %dma_wait3A_417 = tpu.memref_squeeze %dma_wait3A_416 : memref<1x512xf32, #tpu.memory_space<hbm>> -> memref<512xf32, #tpu.memory_space<hbm>>
      %dma_wait3A_418 = tpu.memref_slice %arg4[%run_scoped3A_411, %mul3A_2] : memref<2x16384xf32, #tpu.memory_space<hbm>> -> memref<1x512xf32, #tpu.memory_space<hbm>>
      %dma_wait3A_419 = tpu.memref_squeeze %dma_wait3A_418 : memref<1x512xf32, #tpu.memory_space<hbm>> -> memref<512xf32, #tpu.memory_space<hbm>>
      tpu.wait_dma2 semaphore(%run_scoped3A_412 : memref<!tpu.dma_semaphore, #tpu.memory_space<semaphore_mem>>) src(%arg8 : memref<512xf32, #tpu.memory_space<vmem>>) dst(%dma_wait3A_419 : memref<512xf32, #tpu.memory_space<hbm>>)
      tpu.yield
    }) : () -> ()
    return
  }
}

module attributes {stable_mosaic.version = 14 : i64} {
  func.func @body(%arg0: i32, %arg1: memref<2x2048xf32, #tpu.memory_space<vmem>>, %arg2: memref<2x100xf32, #tpu.memory_space<vmem>>, %arg3: memref<1x100xf32, #tpu.memory_space<vmem>>, %arg4: memref<2048x100xf32, #tpu.memory_space<vmem>>) attributes {dimension_semantics = [#tpu.dimension_semantics<arbitrary>], iteration_bounds = array<i64: 8>, scalar_prefetch = 0 : i64, scratch_operands = 0 : i64, tpu.core_type = #tpu.core_type<tc>, window_params = [{transform_indices = @transform_0, window_bounds = array<i64: 2, 2048>}, {pipeline_mode = #tpu.pipeline_mode<synchronous>, transform_indices = @transform_1, window_bounds = array<i64: 2, 100>}, {pipeline_mode = #tpu.pipeline_mode<synchronous>, transform_indices = @transform_2, window_bounds = array<i64: 1, 100>}, {transform_indices = @transform_3, window_bounds = array<i64: 2048, 100>}]} {
    %get3A = arith.constant 0 : index
    %get3A_0 = arith.constant 0 : index
    %get3A_1 = vector.load %arg1[%get3A, %get3A_0] : memref<2x2048xf32, #tpu.memory_space<vmem>>, vector<2x2048xf32>
    %get3A_2 = arith.constant 0 : index
    %get3A_3 = arith.constant 0 : index
    %get3A_4 = vector.load %arg2[%get3A_2, %get3A_3] : memref<2x100xf32, #tpu.memory_space<vmem>>, vector<2x100xf32>
    %dot_general3A = arith.constant dense<0.000000e+00> : vector<2048x100xf32>
    %dot_general3A_5 = tpu.matmul %get3A_1, %get3A_4, %dot_general3A {dimension_numbers = #tpu.dot_dimension_numbers<[0], [0], [1], [1], [0, 1, 1, 1], [], []>, transpose_lhs_hint = false} : vector<2x2048xf32>, vector<2x100xf32>, vector<2048x100xf32> -> vector<2048x100xf32>
    %get3A_6 = arith.constant 0 : index
    %get3A_7 = arith.constant 0 : index
    %get3A_8 = vector.load %arg3[%get3A_6, %get3A_7] : memref<1x100xf32, #tpu.memory_space<vmem>>, vector<1x100xf32>
    %add3A = vector.broadcast %get3A_8 : vector<1x100xf32> to vector<2048x100xf32>
    %add3A_9 = arith.addf %dot_general3A_5, %add3A : vector<2048x100xf32>
    %reduce_max3A = arith.constant dense<0xFF800000> : vector<2048xf32>
    %reduce_max3A_10 = vector.multi_reduction <maximumf>, %add3A_9, %reduce_max3A [1] : vector<2048x100xf32> to vector<2048xf32>
    %broadcast_in_dim3A = vector.shape_cast %reduce_max3A_10 : vector<2048xf32> to vector<2048x1xf32>
    %sub3A = vector.broadcast %broadcast_in_dim3A : vector<2048x1xf32> to vector<2048x100xf32>
    %sub3A_11 = arith.subf %add3A_9, %sub3A : vector<2048x100xf32>
    %exp3A = math.exp %sub3A_11 : vector<2048x100xf32>
    %reduce_sum3A = arith.constant dense<0.000000e+00> : vector<2048xf32>
    %reduce_sum3A_12 = vector.multi_reduction <add>, %exp3A, %reduce_sum3A [1] : vector<2048x100xf32> to vector<2048xf32>
    %broadcast_in_dim3A_13 = vector.shape_cast %reduce_sum3A_12 : vector<2048xf32> to vector<2048x1xf32>
    %div3A = vector.broadcast %broadcast_in_dim3A_13 : vector<2048x1xf32> to vector<2048x100xf32>
    %div3A_14 = arith.divf %exp3A, %div3A : vector<2048x100xf32>
    %swap3A = arith.constant 0 : index
    %swap3A_15 = arith.constant 0 : index
    %swap3A_16 = vector.load %arg4[%swap3A, %swap3A_15] : memref<2048x100xf32, #tpu.memory_space<vmem>>, vector<2048x100xf32>
    tpu.vector_store %arg4[%swap3A, %swap3A_15], %div3A_14 {strides = array<i32>} : memref<2048x100xf32, #tpu.memory_space<vmem>>, vector<2048x100xf32>,
    return
  }
  func.func @transform_0(%arg0: i32) -> (i32, i32) {
    %c0_i32 = arith.constant 0 : i32
    %c0_i32_0 = arith.constant 0 : i32
    return %c0_i32, %arg0 : i32, i32
  }
  func.func @transform_1(%arg0: i32) -> (i32, i32) {
    %c0_i32 = arith.constant 0 : i32
    %c0_i32_0 = arith.constant 0 : i32
    %c0_i32_1 = arith.constant 0 : i32
    return %c0_i32, %c0_i32_0 : i32, i32
  }
  func.func @transform_2(%arg0: i32) -> (i32, i32) {
    %c0_i32 = arith.constant 0 : i32
    %c0_i32_0 = arith.constant 0 : i32
    %c0_i32_1 = arith.constant 0 : i32
    return %c0_i32, %c0_i32_0 : i32, i32
  }
  func.func @transform_3(%arg0: i32) -> (i32, i32) {
    %c0_i32 = arith.constant 0 : i32
    %c0_i32_0 = arith.constant 0 : i32
    return %arg0, %c0_i32 : i32, i32
  }
}

</mosaic_0001>

<sc_bundles>
// kernel: kernel.4.cloned.1.call-start
scs
__scs_entry_jumppad:
0x0: {  	(pc) =	sbr.rel $0x88, $3  }
0x1: {  	(tag) =	ssettag $0x0;
	lr =	simm.s32 $0x1  }
0x2: {  	[smem:$0x3F9D] =	sst lr;
	_ =	strace $0xD0000000  }
0x3: {  	_ = 	snop  }
0x4: {  	_ = 	snop  }
0x5: {  	_ = 	snop  }
0x6: {  	_ = 	snop  }
0x7: {  	_ = 	snop  }
__scs_overlays_trampoline_lowered:
0x8: {  	[smem:$0x3FAC] =	sst s0  }
0x9: {  	[smem:$0x3FAD] =	sst s1  }
0xa: {  	[smem:$0x3FAE] =	sst s2  }
0xb: {  	[smem:$0x3FAF] =	sst s3  }
0xc: {  	[smem:$0x3FB0] =	sst s4  }
0xd: {  	[smem:$0x3FB1] =	sst s5  }
0xe: {  	[smem:$0x3FB2] =	sst s6  }
0xf: {  	[smem:$0x3FB3] =	sst s7  }
0x10: {  	[smem:$0x3FB4] =	sst s8  }
0x11: {  	[smem:$0x3FB5] =	sst s9;
	s0 =	simm.s32 @!p0 $0x0  }
0x12: {  	s1 =	sld [smem:$0x3F9B];
	s0 =	simm.s32 @p0 $0x1  }
0x13: {  	[smem:$0x3FB6] =	sst s0;
	s0 =	simm.s32 @!p1 $0x0  }
0x14: {  	s2 =	sld [smem:$0x3F9A];
	s0 =	simm.s32 @p1 $0x1  }
0x15: {  	[smem:$0x3FB7] =	sst s0;
	s0 =	simm.s32 @!p2 $0x0  }
0x16: {  	s3 =	sld [smem:$0x3FDB];
	s0 =	simm.s32 @p2 $0x1  }
0x17: {  	s4 =	simm.s32 $0x1BF5;
	[smem:$0x3FB9] =	sst s0  }
0x18: {  	s0 =	sld [smem:$0x3F9C];
	_ =	swait.ge [sflag:s4], $0x0  }
0x19: {  	s7 =	sld [smem:$0x3F9D]  }
0x1a: {  	s8 =	sadd.s32 $0xFFFFE003, lr  }
0x1b: {  	s9 =	sadd.s32 $0xFFFFFEF7, lr;
	s5 =	simm.s32 $0xFFFFFFFF;
	p2 =	slt.u32 s8, $0xFFFFF086  }
0x1c: {  	p1 =	slt.u32 s9, $0xF7A;
	s5 =	simm.s32 @!p2 $0x0  }
0x1d: {  	s5 =	simm.s32 @p1 $0x1;
	p0 =	seq.s32 s7, s2  }
0x1e: {  	s7 =	smul.u32 @!p0 $0xF7A, s2;
	p2 =	seq.s32 @!p0 s5, $0x0  }
0x1f: {  	s9 =	smul.u32 $0xF7A, s1;
	s8 =	simm.s32 @!p0 $0x1BF5;
	p2 =	por !p2, p0  }
0x20: {  	[sflag:s8] =	ssyncset.s32 @!p0 $0xFFFFF086;
	s6 =	sadd.s32 @!p0 s3, s7;
	s7 =	simm.s32 @!p0 $0x108  }
0x21: {  	s3 =	sadd.s32 s3, s9;
	s6 =	sadd.s32 @!p0 $0x88, s6;
	s7 =	simm.s32 @p2 $0x1082  }
0x22: {  	[simem:s7], [sflag:s8] =	dma.local @!p0 [hbm:s6], $0xF7A  }
0x23: {  	s9 =	sor.u32 $0xD0000000, s2;
	s6 =	simm.s32 $0x108;
	_ =	swait.ge @!p0 [sflag:s8], $0x0  }
0x24: {  	s3 =	sadd.s32 $0x88, s3;
	s6 =	simm.s32 @!p1 $0x1082;
	[sflag:s4] =	ssyncset.s32 $0xFFFFF086  }
0x25: {  	[simem:s6], [sflag:s4] =	dma.local [hbm:s3], $0xF7A  }
0x26: {  	[smem:$0x3F9D] =	sst s1;
	(tag) =	ssettag s2;
	_ =	strace s9  }
0x27: {  	s1 =	sld [smem:$0x3FAD]  }
0x28: {  	s2 =	sld [smem:$0x3FAE]  }
0x29: {  	s4 =	sld [smem:$0x3FB0]  }
0x2a: {  	p0 =	seq.s32 s5, $0x0;
	s5 =	sld [smem:$0x3FB1]  }
0x2b: {  	s6 =	sld [smem:$0x3FB2]  }
0x2c: {  	s7 =	sld [smem:$0x3FB3]  }
0x2d: {  	s3 =	simm.s32 $0x108;
	s8 =	sld [smem:$0x3FB4]  }
0x2e: {  	s3 =	simm.s32 @!p0 $0x1082;
	s9 =	sld [smem:$0x3FB5]  }
0x2f: {  	lr =	sadd.s32 s0, s3;
	s0 =	sld [smem:$0x3FAC]  }
0x30: {  	s3 =	sld [smem:$0x3FAF]  }
0x31: {  	[smem:$0x3FB8] =	sst s10  }
0x32: {  	s10 =	sld [smem:$0x3FB6];
	_ =	sdelay $0x3  }
0x33: {  	p0 =	seq.s32 s10, $0x1;
	s10 =	sld [smem:$0x3FB8];
	_ =	sdelay $0x3  }
0x34: {  	[smem:$0x3FB8] =	sst s10  }
0x35: {  	s10 =	sld [smem:$0x3FB7];
	_ =	sdelay $0x3  }
0x36: {  	p1 =	seq.s32 s10, $0x1;
	s10 =	sld [smem:$0x3FB8];
	_ =	sdelay $0x3  }
0x37: {  	[smem:$0x3FB8] =	sst s10  }
0x38: {  	s10 =	sld [smem:$0x3FB9]  }
0x39: {  	_ = 	snop;
	(pc) =	sbr.ind lr, $3  }
0x3a: {  	_ = 	snop  }
0x3b: {  	_ = 	snop  }
0x3c: {  	p2 =	seq.s32 s10, $0x1;
	s10 =	sld [smem:$0x3FB8]  }
0x3d: {  	_ =	shalt  }
0x3e: {  	_ =	shalt  }
0x3f: {  	_ =	shalt  }
0x40: {  	_ =	shalt  }
0x41: {  	_ =	shalt  }
0x42: {  	_ =	shalt  }
0x43: {  	_ =	shalt  }
0x44: {  	_ =	shalt  }
0x45: {  	_ =	shalt  }
0x46: {  	_ =	shalt  }
0x47: {  	_ =	shalt  }
0x48: {  	_ =	shalt  }
0x49: {  	_ =	shalt  }
0x4a: {  	_ =	shalt  }
0x4b: {  	_ =	shalt  }
0x4c: {  	_ =	shalt  }
0x4d: {  	_ =	shalt  }
0x4e: {  	_ =	shalt  }
0x4f: {  	_ =	shalt  }
0x50: {  	_ =	shalt  }
0x51: {  	_ =	shalt  }
0x52: {  	_ =	shalt  }
0x53: {  	_ =	shalt  }
0x54: {  	_ =	shalt  }
0x55: {  	_ =	shalt  }
0x56: {  	_ =	shalt  }
0x57: {  	_ =	shalt  }
0x58: {  	_ =	shalt  }
0x59: {  	_ =	shalt  }
0x5a: {  	_ =	shalt  }
0x5b: {  	_ =	shalt  }
0x5c: {  	_ =	shalt  }
0x5d: {  	_ =	shalt  }
0x5e: {  	_ =	shalt  }
0x5f: {  	_ =	shalt  }
0x60: {  	_ =	shalt  }
0x61: {  	_ =	shalt  }
0x62: {  	_ =	shalt  }
0x63: {  	_ =	shalt  }
0x64: {  	_ =	shalt  }
0x65: {  	_ =	shalt  }
0x66: {  	_ =	shalt  }
0x67: {  	_ =	shalt  }
0x68: {  	_ =	shalt  }
0x69: {  	_ =	shalt  }
0x6a: {  	_ =	shalt  }
0x6b: {  	_ =	shalt  }
0x6c: {  	_ =	shalt  }
0x6d: {  	_ =	shalt  }
0x6e: {  	_ =	shalt  }
0x6f: {  	_ =	shalt  }
0x70: {  	_ =	shalt  }
0x71: {  	_ =	shalt  }
0x72: {  	_ =	shalt  }
0x73: {  	_ =	shalt  }
0x74: {  	_ =	shalt  }
0x75: {  	_ =	shalt  }
0x76: {  	_ =	shalt  }
0x77: {  	_ =	shalt  }
0x78: {  	_ =	shalt  }
0x79: {  	_ =	shalt  }
0x7a: {  	_ =	shalt  }
0x7b: {  	_ =	shalt  }
0x7c: {  	_ =	shalt  }
0x7d: {  	_ =	shalt  }
0x7e: {  	_ =	shalt  }
0x7f: {  	_ =	shalt  }
0x80: {  	_ =	shalt  }
0x81: {  	_ =	shalt  }
0x82: {  	_ =	shalt  }
0x83: {  	_ =	shalt  }
0x84: {  	_ =	shalt  }
0x85: {  	_ =	shalt  }
0x86: {  	_ =	shalt  }
0x87: {  	_ =	shalt  }
.Lfunc_end0:
.L_simem_size_0:
called_computation_lowered:
.L_overlay_start_0:
0x88: {  	s2 =	sld [smem:$0x3FD9]  }
0x89: {  	s3 =	sld [smem:$0x3FFE];
	_ =	sdelay $0x1  }
0x8a: {  	s1 =	srdreg.scid  }
0x8b: {  	s0 =	sand.u32 $0x1, s1  }
0x8c: {  	s17 =	sshll.u32 s0, $0xA;
	s2 =	sadd.s32 s3, s2  }
0x8d: {  	s2 =	sadd.s32 s2, s17  }
0x8e: {  	[smem:$0x3FC4] =	sst s2  }
0x8f: {  	_ = 	snop  }
0x90: {  	s2 =	sld [smem:$0x3FD0];
	(tm) =	ssettm $0x1  }
0x91: {  	s18 =	sld [smem:$0x3FFB];
	_ =	sdelay $0x3  }
0x92: {  	_ =	strace s18  }
0x93: {  	s3 =	sld [smem:$0x3FFC];
	_ =	sdelay $0x3  }
0x94: {  	_ =	strace s3  }
0x95: {  	s3 =	sld [smem:$0x3FFD];
	_ =	sdelay $0x3  }
0x96: {  	_ =	strace s3  }
0x97: {  	_ =	strace $0x8FFFFFFF  }
0x98: {  	s19 =	sld [smem:$0x3FDB];
	_ =	sdelay $0x1  }
0x99: {  	s4 =	simm.s32 $_scs_section_size  }
0x9a: {  	s5 =	simm.s32 $_size__tile_overlayer_lowered;
	s6 =	simm.s32 $_tile_overlayer_lowered  }
0x9b: {  	s22 =	simm.s32 $0x1BFF;
	s21 =	sshll.u32 s6, $0x1;
	s3 =	sadd.s32 s4, s19  }
0x9c: {  	s7 =	simm.s32 $0x0;
	s20 =	sshll.u32 s5, $0x1;
	s5 =	sadd.s32 s21, s3  }
0x9d: {  	[timem:s7], [sflag:s22] =	dma.local [hbm:s5], s20  }
0x9e: {  	_ =	swait.ge [sflag:s22], s20  }
0x9f: {  	s4 =	ssub.s32 $0x0, s20;
	[sflag:s22] =	ssyncset.done $0x0  }
0xa0: {  	[sflag:s22] =	ssyncadd.s32 s4;
	_ =	sdelay $0x1  }
0xa1: {  	s23 =	simm.s32 $0x1B8B  }
0xa2: {  	_ =	swait.ge [sflag:s23], $0x1  }
0xa3: {  	[sflag:s23] =	ssyncset.done $0x0  }
0xa4: {  	s25 =	simm.s32 $0x1B8E;
	s24 =	sld [smem:$0x3FFE];
	[sflag:s23] =	ssyncadd.s32 $0xFFFFFFFF  }
0xa5: {  	s26 =	simm.s32 $execute0_lowered;
	[smem:$0x3FD2] =	sst s25  }
0xa6: {  	s5 =	sshll.u32 s26, $0x1;
	_ =	strace $0x80000046;
	[dreg:$0x1] =	wrdreg $0xFFFFFFFF  }
0xa7: {  	s28 =	simm.s32 $_size_execute0_lowered;
	s3 =	sadd.s32 s3, s5;
	[dreg:$0x0] =	wrdreg $0x0  }
0xa8: {  	s5 =	sshll.u32 s28, $0x1;
	[dreg:$0x2] =	wrdreg s3  }
0xa9: {  	[dreg:$0x3] =	wrdreg s5  }
0xaa: {  	[dreg:$0x4] =	wrdreg $0xC0  }
0xab: {  	_ =	task [dreg:s7], $0x5FFFF  }
0xac: {  	[dreg:$0x1] =	wrdreg $0xFFFFFFFF  }
0xad: {  	[dreg:$0x0] =	wrdreg $0x60  }
0xae: {  	[dreg:$0x2] =	wrdreg s24  }
0xaf: {  	[dreg:$0x3] =	wrdreg s2  }
0xb0: {  	[dreg:$0x4] =	wrdreg $0x9  }
0xb1: {  	_ =	task.clear_ibuf [dreg:s7], $0x5FFFF;
	_ =	strace $0x90000046  }
0xb2: {  	s29 =	simm.s32 $0x9;
	_ =	strace $0x80000048  }
0xb3: {  	_ =	swait.ge [sflag:s29], $0x1  }
0xb4: {  	[sflag:s29] =	ssyncadd.s32 $0xFFFFFFFF  }
0xb5: {  	_ =	strace $0x90000048  }
0xb6: {  	_ =	sfence  }
0xb7: {  	s30 =	sld [smem:$0x0];
	_ =	sdelay $0x2  }
0xb8: {  	s31 =	sshll.u32 s1, $0xD;
	s1 =	sshrl.u32 s1, $0x2  }
0xb9: {  	s3 =	sand.u32 $0x4000, s31;
	s1 =	sadd.s32 s1, s30  }
0xba: {  	s0 =	sor.u32 s3, s0;
	s1 =	sshll.u32 s1, $0x11  }
0xbb: {  	s0 =	sor.u32 s1, s0  }
0xbc: {  	s0 =	sadd.s32 $0x8F2B, s0  }
0xbd: {  	[sflag:s0] =	ssyncadd.remote.s32 $0x1  }
0xbe: {  	_ =	sfence.sel $0xFFFF  }
0xbf: {  	[dreg:$0x0] =	wrdreg $0xFFFFFFFF;
	(pc) =	sbr.abs _section_cstart, $3  }
0xc0: {  	[dreg:$0x1] =	wrdreg $0xFFFFFFFF  }
0xc1: {  	_ =	task.clear_ibuf [dreg:s7], $0x2FFFF;
	_ =	strace $0x9FFFFFFF  }
0xc2: {  	(tm) =	ssettm $0x7FFFFFFF  }
0xc3: {  	_ =	shalt  }
tec
execute0_lowered:
.L_overlay_start_1:
0x0: {  	(tag) =	ssettag $0x1  }
0x1: {  	s0 =	rddreg [dreg:$0x0];
	s1 =	srdreg.scid  }
0x2: {  	s4 =	rddreg [dreg:$0x1];
	s6 =	stileid.u32;
	s2 =	simm.s32 $0x0  }
0x3: {  	s11 =	simm.s32 $0x1;
	s1 =	sand.u32 $0x1, s1;
	s3 =	sshll.u32 s6, $0x8  }
0x4: {  	vm0 =	vmmov $0x1;
	s6 =	sshll.u32 s6, $0xA;
	s5 =	sshll.u32 s1, $0x7;
	s1 =	ssub.s32 $0x2, s1  }
0x5: {  	vm1 =	vcmask $0x308;
	vm2 =	vcmask $0x70C;
	vm3 =	vcmask $0xB10;
	[smem:$0x7FF] =	sst s2;
	s5 =	sor.u32 s5, s3;
	s7 =	sshrl.u32 s1, $0x1  }
0x6: {  	vm4 =	vcmask $0xF14;
	vm5 =	vcmask $0x1318;
	vm6 =	vcmask $0x171C;
	_ =	strace $0x80000047;
	s3 =	sor.u32 s6, s5;
	s1 =	ssub.s32 s1, s7  }
0x7: {  	vm7 =	vcmask $0x1B20;
	vm8 =	vcmask $0x1F24;
	v0 =	vlaneseq.u32;
	s4 =	sadd.s32 s4, s5;
	s6 =	sand.u32 $0x3380, s3;
	s3 =	sadd.s32 $0x1200, s0  }
0x8: {  	vm9 =	vcmask $0x2328;
	vm10 =	vcmask $0x272C;
	v3 =	vmul.u32 $0x80, v0;
	[dreg:$0x3] =	wrdreg s4;
	s30 =	sadd.s32 $0x10, s4;
	s6 =	sshrl.u32 s6, $0x3  }
0x9: {  	vm11 =	vcmask $0x2B30;
	vm12 =	vcmask $0x2F34;
	vm13 =	vcmask $0x3338;
	s31 =	smax.u32 s1, $0x1;
	[dreg:$0x5] =	wrdreg s30;
	s0 =	sadd.s32 s6, s0  }
0xa: {  	vm14 =	vcmask $0x373C;
	vm15 =	vmmov $0x7fff;
	s16 =	simm.s32 $0x0;
	v0 =	vor.u32 $0xF000, v3;
	[dreg:$0x6] =	wrdreg s31;
	s0 =	sadd.s32 $0xA00, s0  }
0xb: {  	v1 =	vor.u32 $0xF001, v3;
	v2 =	vor.u32 $0xF800, v3;
	v3 =	vor.u32 $0xF801, v3;
	s5 =	simm.s32 $0x2;
	s1 =	simm.s32 $0x80;
	[dreg:$0x4] =	wrdreg s0  }
.LBB2_1:
0xc: {  	s0 =	rddreg [dreg:$0x4];
	s4 =	simm.s32 $0x400  }
0xd: {  	[tilespmem:s2], [sflag:$0x2] =	stream.strided.gather [hbm4b:s0+s1], $0x200, s4, s1, $0x38;
	[tilespmem:$0x10600] =	vst v63  }
0xe: {  	_ =	swait.ge [sflag:s5], $0x200  }
0xf: {  	[sflag:s5] =	ssyncset.done $0x0  }
0x10: {  	[sflag:s5] =	ssyncadd.s32 $0xFFFFFE00  }
0x11: {  	v4 =	vld [tilespmem:s2+$0x0];
	_ =	sdelay $0x4  }
0x12: {  	v5 =	vsel vm3, $0x0, v4  }
0x13: {  	v6 =	vsel vm4, $0x0, v4;
	(xrf0) =	vadd.scan.msk.s32 $0xffff, v5  }
0x14: {  	v5 =	vnsel vm0, $0x0, v4;
	(xrf0) =	vadd.scan.msk.s32 $0xffff, v6  }
0x15: {  	(xrf0) =	vadd.scan.msk.s32 $0xffff, v5;
	v5 =	vsel vm1, $0x0, v4  }
0x16: {  	(xrf0) =	vadd.scan.msk.s32 $0xffff, v5;
	v5 =	vsel vm2, $0x0, v4;
	_ =	sdelay $0x1  }
0x17: {  	v7 =	vsel vm13, $0x0, v4  }
0x18: {  	v6 =	vsel vm12, $0x0, v4;
	(xrf0) =	vadd.scan.msk.s32 $0xffff, v5;
	v5, _, _ =	vpop (xrf0)  }
0x19: {  	(xrf0) =	vadd.scan.msk.s32 $0xffff, v6;
	(v2sf) =	vpush v5, $0xF;
	v5, _, _ =	vpop (xrf0)  }
0x1a: {  	(xrf0) =	vadd.scan.msk.s32 $0xffff, v7;
	v7, _, _ =	vpop (xrf0);
	(v2sf) =	vpush v5, $0xF;
	v5 =	vsel vm15, $0x0, v4  }
0x1b: {  	v6 =	vsel vm14, $0x0, v4;
	(v2sf) =	vpush v7, $0xF  }
0x1c: {  	(xrf0) =	vadd.scan.msk.s32 $0xffff, v6;
	v6 =	vsel vm6, $0x0, v4  }
0x1d: {  	(xrf0) =	vadd.scan.msk.s32 $0xffff, v5;
	v5, _, _ =	vpop (xrf0)  }
0x1e: {  	(v2sf) =	vpush v5, $0xF;
	v5 =	vsel vm7, $0x0, v4  }
0x1f: {  	(xrf0) =	vadd.scan.msk.s32 $0xffff, v6;
	v6, _, _ =	vpop (xrf0)  }
0x20: {  	v7 =	vsel vm5, $0x0, v4;
	(v2sf) =	vpush v6, $0xF  }
0x21: {  	(xrf0) =	vadd.scan.msk.s32 $0xffff, v5;
	v5, _, _ =	vpop (xrf0)  }
0x22: {  	v6, _, _ =	vpop (xrf0)  }
0x23: {  	(xrf0) =	vadd.scan.msk.s32 $0xffff, v7;
	v7, _, _ =	vpop (xrf0)  }
0x24: {  	(v2sf) =	vpush v5, $0xF;
	v8, _, _ =	vpop (xrf0)  }
0x25: {  	v5, _, _ =	vpop (xrf0)  }
0x26: {  	(v2sf) =	vpush v5, $0xF  }
0x27: {  	v9 =	vsel vm8, $0x0, v4;
	v5, _, _ =	vpop (xrf0)  }
0x28: {  	(xrf0) =	vadd.scan.msk.s32 $0xffff, v9;
	(v2sf) =	vpush v5, $0xF;
	s31 =	spop (v2sf)  }
0x29: {  	v5, _, _ =	vpop (xrf0);
	s9 =	spop (v2sf)  }
0x2a: {  	s14 =	simm.s32 $0x300;
	(v2sf) =	vpush v5, $0xF;
	v5 =	vsel vm9, $0x0, v4;
	s4 =	spop (v2sf)  }
0x2b: {  	s15 =	simm.s32 $0x400;
	s17 =	simm.s32 $0x200;
	(xrf0) =	vadd.scan.msk.s32 $0xffff, v5;
	v5 =	vsel vm10, $0x0, v4;
	s0 =	sshll.u32 s4, $0x4  }
0x2c: {  	s19 =	simm.s32 $0x280;
	s8 =	simm.s32 $0x380;
	s0 =	sand.u32 $0x1FFFFFF0, s0  }
0x2d: {  	s20 =	simm.s32 $0x480;
	(xrf0) =	vadd.scan.msk.s32 $0xffff, v5;
	s18 =	spop (v2sf);
	s0 =	sadd.s32 s3, s0  }
0x2e: {  	v5, _, _ =	vpop (xrf0);
	[tilespmem:s17], [sflag:$0x1] =	stream.linear.gather [hbm4b:s0+s2], $0x80, $0x38;
	[tilespmem:$0x10600] =	vst v63  }
0x2f: {  	s13 =	simm.s32 $0x700;
	v4 =	vsel vm11, $0x0, v4;
	s18 =	sshll.u32 s18, $0x4;
	s5 =	spop (v2sf);
	(v2sf) =	vpush v5, $0xF  }
0x30: {  	s1 =	sshll.u32 s31, $0x4;
	(xrf0) =	vadd.scan.msk.s32 $0xffff, v4;
	s18 =	sand.u32 $0x1FFFFFF0, s18;
	s17 =	sshll.u32 s5, $0x4  }
0x31: {  	s1 =	sand.u32 $0x1FFFFFF0, s1;
	s18 =	sadd.s32 s3, s18;
	s17 =	sand.u32 $0x1FFFFFF0, s17  }
0x32: {  	v4, _, _ =	vpop (xrf0);
	[tilespmem:s19], [sflag:$0x1] =	stream.linear.gather [hbm4b:s18+s2], $0x80, $0x38;
	[tilespmem:$0x10600] =	vst v63  }
0x33: {  	s9 =	sshll.u32 s9, $0x4;
	s6 =	spop (v2sf);
	(v2sf) =	vpush v4, $0xF;
	s17 =	sadd.s32 s3, s17  }
0x34: {  	[tilespmem:s14], [sflag:$0x1] =	stream.linear.gather [hbm4b:s17+s2], $0x80, $0x38;
	[tilespmem:$0x10600] =	vst v63  }
0x35: {  	s1 =	sadd.s32 s3, s1;
	s9 =	sand.u32 $0x1FFFFFF0, s9;
	v4, _, _ =	vpop (xrf0);
	s7 =	spop (v2sf)  }
0x36: {  	(v2sf) =	vpush v4, $0xF;
	v5, _, _ =	vpop (xrf0);
	[tilespmem:s8], [sflag:$0x1] =	stream.linear.gather [hbm4b:s1+s2], $0x80, $0x38;
	[tilespmem:$0x10600] =	vst v63  }
0x37: {  	s22 =	simm.s32 $0x780;
	s9 =	sadd.s32 s3, s9;
	(v2sf) =	vpush v5, $0xF;
	s10 =	spop (v2sf)  }
0x38: {  	[tilespmem:s15], [sflag:$0x1] =	stream.linear.gather [hbm4b:s9+s2], $0x80, $0x38;
	[tilespmem:$0x10600] =	vst v63  }
0x39: {  	s24 =	simm.s32 $0x500;
	s25 =	simm.s32 $0x600;
	(v2sf) =	vpush v6, $0xF;
	s12 =	spop (v2sf)  }
0x3a: {  	s28 =	simm.s32 $0x580;
	s29 =	simm.s32 $0x680;
	s14 =	sshll.u32 s12, $0x4  }
0x3b: {  	p1 =	por $0x1, $0x1;
	s21 =	sshll.u32 s7, $0x4;
	s14 =	sand.u32 $0x1FFFFFF0, s14  }
0x3c: {  	(v2sf) =	vpush v7, $0xF;
	s15 =	sand.u32 $0x1FFFFFF0, s21;
	s23 =	sshll.u32 s10, $0x4;
	s14 =	sadd.s32 s3, s14  }
0x3d: {  	[tilespmem:s20], [sflag:$0x1] =	stream.linear.gather [hbm4b:s14+s2], $0x80, $0x38;
	[tilespmem:$0x10600] =	vst v63  }
0x3e: {  	(v2sf) =	vpush v8, $0xF;
	s15 =	sadd.s32 s3, s15;
	s14 =	sand.u32 $0x1FFFFFF0, s23;
	s26 =	spop (v2sf)  }
0x3f: {  	[tilespmem:s24], [sflag:$0x1] =	stream.linear.gather [hbm4b:s15+s2], $0x80, $0x38;
	[tilespmem:$0x10600] =	vst v63  }
0x40: {  	s0 =	simm.s32 $0x800;
	s14 =	sadd.s32 s3, s14;
	s17 =	sshll.u32 s26, $0x4  }
0x41: {  	[tilespmem:s28], [sflag:$0x1] =	stream.linear.gather [hbm4b:s14+s2], $0x80, $0x38;
	[tilespmem:$0x10600] =	vst v63  }
0x42: {  	s18 =	sshll.u32 s6, $0x4;
	s17 =	sand.u32 $0x1FFFFFF0, s17;
	s30 =	spop (v2sf)  }
0x43: {  	s31 =	sand.u32 $0x1FFFFFF0, s18;
	s17 =	sadd.s32 s3, s17;
	s20 =	sshll.u32 s30, $0x4  }
0x44: {  	[tilespmem:s25], [sflag:$0x1] =	stream.linear.gather [hbm4b:s17+s2], $0x80, $0x38;
	[tilespmem:$0x10600] =	vst v63  }
0x45: {  	s1 =	simm.s32 $0x880;
	s4 =	spop (v2sf);
	s5 =	sand.u32 $0x1FFFFFF0, s20  }
0x46: {  	s17 =	sshll.u32 s4, $0x4;
	s6 =	spop (v2sf);
	s18 =	sadd.s32 s3, s5  }
0x47: {  	[tilespmem:s29], [sflag:$0x1] =	stream.linear.gather [hbm4b:s18+s2], $0x80, $0x38;
	[tilespmem:$0x10600] =	vst v63  }
0x48: {  	s7 =	sand.u32 $0x1FFFFFF0, s17;
	s8 =	sshll.u32 s6, $0x4;
	s10 =	spop (v2sf)  }
0x49: {  	s14 =	sadd.s32 s3, s7;
	s17 =	sand.u32 $0x1FFFFFF0, s8;
	s18 =	sshll.u32 s10, $0x4  }
0x4a: {  	[tilespmem:s13], [sflag:$0x1] =	stream.linear.gather [hbm4b:s14+s2], $0x80, $0x38;
	[tilespmem:$0x10600] =	vst v63  }
0x4b: {  	s12 =	sadd.s32 s3, s17;
	s13 =	sand.u32 $0x1FFFFFF0, s18;
	s18 =	spop (v2sf)  }
0x4c: {  	[tilespmem:s22], [sflag:$0x1] =	stream.linear.gather [hbm4b:s12+s2], $0x80, $0x38;
	[tilespmem:$0x10600] =	vst v63  }
0x4d: {  	s20 =	sadd.s32 s3, s31;
	s21 =	sshll.u32 s18, $0x4;
	s22 =	spop (v2sf)  }
0x4e: {  	[tilespmem:s0], [sflag:$0x1] =	stream.linear.gather [hbm4b:s20+s2], $0x80, $0x38;
	[tilespmem:$0x10600] =	vst v63  }
0x4f: {  	s23 =	sadd.s32 s3, s13;
	s24 =	sand.u32 $0x1FFFFFF0, s21;
	s25 =	sshll.u32 s22, $0x4  }
0x50: {  	[tilespmem:s1], [sflag:$0x1] =	stream.linear.gather [hbm4b:s23+s2], $0x80, $0x38;
	[tilespmem:$0x10600] =	vst v63  }
0x51: {  	s26 =	simm.s32 $0x900;
	s28 =	sadd.s32 s3, s24;
	s29 =	sand.u32 $0x1FFFFFF0, s25  }
0x52: {  	[tilespmem:s26], [sflag:$0x1] =	stream.linear.gather [hbm4b:s28+s2], $0x80, $0x38;
	[tilespmem:$0x10600] =	vst v63  }
0x53: {  	s30 =	simm.s32 $0x980;
	s0 =	simm.s32 @!p1 $0x1;
	s31 =	sadd.s32 s3, s29  }
0x54: {  	[tilespmem:s30], [sflag:$0x1] =	stream.linear.gather [hbm4b:s31+s2], $0x80, $0x38;
	[tilespmem:$0x10600] =	vst v63  }
0x55: {  	_ =	swait.ge @!p1 [sflag:s0], $0x80  }
0x56: {  	[sflag:s0] =	ssyncset.done @!p1 $0x0  }
0x57: {  	[sflag:s0] =	ssyncadd.s32 @!p1 $0xFFFFFF80  }
0x58: {  	_ =	swait.ge @!p1 [sflag:s0], $0x80  }
0x59: {  	[sflag:s0] =	ssyncset.done @!p1 $0x0  }
0x5a: {  	[sflag:s0] =	ssyncadd.s32 @!p1 $0xFFFFFF80  }
0x5b: {  	_ =	swait.ge @!p1 [sflag:s0], $0x80  }
0x5c: {  	[sflag:s0] =	ssyncset.done @!p1 $0x0  }
0x5d: {  	[sflag:s0] =	ssyncadd.s32 @!p1 $0xFFFFFF80  }
0x5e: {  	_ =	swait.ge @!p1 [sflag:s0], $0x80  }
0x5f: {  	[sflag:s0] =	ssyncset.done @!p1 $0x0  }
0x60: {  	[sflag:s0] =	ssyncadd.s32 @!p1 $0xFFFFFF80  }
0x61: {  	_ =	swait.ge @!p1 [sflag:s0], $0x80  }
0x62: {  	[sflag:s0] =	ssyncset.done @!p1 $0x0  }
0x63: {  	[sflag:s0] =	ssyncadd.s32 @!p1 $0xFFFFFF80  }
0x64: {  	_ =	swait.ge @!p1 [sflag:s0], $0x80  }
0x65: {  	[sflag:s0] =	ssyncset.done @!p1 $0x0  }
0x66: {  	[sflag:s0] =	ssyncadd.s32 @!p1 $0xFFFFFF80  }
0x67: {  	_ =	swait.ge @!p1 [sflag:s0], $0x80  }
0x68: {  	[sflag:s0] =	ssyncset.done @!p1 $0x0  }
0x69: {  	[sflag:s0] =	ssyncadd.s32 @!p1 $0xFFFFFF80  }
0x6a: {  	_ =	swait.ge @!p1 [sflag:s0], $0x80  }
0x6b: {  	[sflag:s0] =	ssyncset.done @!p1 $0x0  }
0x6c: {  	[sflag:s0] =	ssyncadd.s32 @!p1 $0xFFFFFF80  }
0x6d: {  	_ =	swait.ge @!p1 [sflag:s0], $0x80  }
0x6e: {  	[sflag:s0] =	ssyncset.done @!p1 $0x0  }
0x6f: {  	[sflag:s0] =	ssyncadd.s32 @!p1 $0xFFFFFF80  }
0x70: {  	_ =	swait.ge @!p1 [sflag:s0], $0x80  }
0x71: {  	[sflag:s0] =	ssyncset.done @!p1 $0x0  }
0x72: {  	[sflag:s0] =	ssyncadd.s32 @!p1 $0xFFFFFF80  }
0x73: {  	_ =	swait.ge @!p1 [sflag:s0], $0x80  }
0x74: {  	[sflag:s0] =	ssyncset.done @!p1 $0x0  }
0x75: {  	[sflag:s0] =	ssyncadd.s32 @!p1 $0xFFFFFF80  }
0x76: {  	_ =	swait.ge @!p1 [sflag:s0], $0x80  }
0x77: {  	[sflag:s0] =	ssyncset.done @!p1 $0x0  }
0x78: {  	[sflag:s0] =	ssyncadd.s32 @!p1 $0xFFFFFF80  }
0x79: {  	_ =	swait.ge @!p1 [sflag:s0], $0x80  }
0x7a: {  	[sflag:s0] =	ssyncset.done @!p1 $0x0  }
0x7b: {  	[sflag:s0] =	ssyncadd.s32 @!p1 $0xFFFFFF80  }
0x7c: {  	_ =	swait.ge @!p1 [sflag:s0], $0x80  }
0x7d: {  	[sflag:s0] =	ssyncset.done @!p1 $0x0  }
0x7e: {  	v4 =	vlaneseq.u32 @!p1;
	s1 =	simm.s32 $0xFFFFFFE0;
	[sflag:s0] =	ssyncadd.s32 @!p1 $0xFFFFFF80  }
0x7f: {  	v4 =	vmul.u32 @!p1 $0x80, v4;
	v5 =	vmov @!p1 s1;
	_ =	swait.ge @!p1 [sflag:s0], $0x80  }
0x80: {  	s19 =	simm.s32 $0x2000;
	v5 =	vshll.u32 @!p1 v5, $0x7;
	[sflag:s0] =	ssyncset.done @!p1 $0x0  }
0x81: {  	s17 =	simm.s32 $0x103E0;
	s18 =	simm.s32 $0x101E0;
	v5 =	vor.u32 @!p1 v4, v5;
	[sflag:s0] =	ssyncadd.s32 @!p1 $0xFFFFFF80  }
0x82: {  	s21 =	simm.s32 $0x10;
	s22 =	simm.s32 $0x103F0;
	_ =	swait.ge @!p1 [sflag:s0], $0x80  }
0x83: {  	s24 =	simm.s32 $0x0;
	s20 =	simm.s32 $0xFFFFFFF0;
	[sflag:s0] =	ssyncset.done @!p1 $0x0  }
0x84: {  	s23 =	simm.s32 $0x101E0;
	v4 =	vor.u32 @!p1 $0x1, v5;
	[sflag:s0] =	ssyncadd.s32 @!p1 $0xFFFFFF80;
	s0 =	simm.s32 @!p1 $0x200  }
.LBB2_2:
0x85: {  	s24 =	sadd.s32 $0x1, s24  }
0x86: {  	v5 =	vld.idx.msk @!p1 [tilespmem:v5+s0+$0x0], $0xffff;
	s18 =	sadd.s32 $0x10, s18;
	s25 =	smov.u32 s19;
	s19 =	sadd.s32 $0x2000, s19  }
0x87: {  	p0 =	sne.s32 s19, $0x40000;
	_ =	sdelay $0x4  }
0x88: {  	[tilespmem:s23+$0x0] =	vst @!p1 v5;
	s23 =	smov.u32 s18  }
0x89: {  	v4 =	vld.idx.msk @!p1 [tilespmem:v4+s0+$0x0], $0xffff;
	_ =	sdelay $0x5  }
0x8a: {  	[tilespmem:s17+$0x0] =	vst @!p1 v4;
	s17 =	smov.u32 s22  }
0x8b: {  	v4 =	vld [tilespmem:s21+$0x0];
	_ =	sdelay $0x4  }
0x8c: {  	v5 =	vsel vm1, $0x0, v4;
	v6 =	vsel vm2, $0x0, v4;
	v7 =	vsel vm3, $0x0, v4  }
0x8d: {  	v8 =	vnsel vm0, $0x0, v4;
	v9 =	vsel vm4, $0x0, v4;
	v10 =	vsel vm8, $0x0, v4;
	(xrf0) =	vadd.scan.msk.s32 $0xffff, v7  }
0x8e: {  	v7 =	vsel vm9, $0x0, v4;
	(xrf0) =	vadd.scan.msk.s32 $0xffff, v9  }
0x8f: {  	v9 =	vsel vm10, $0x0, v4;
	(xrf0) =	vadd.scan.msk.s32 $0xffff, v8  }
0x90: {  	v8 =	vsel vm11, $0x0, v4;
	(xrf0) =	vadd.scan.msk.s32 $0xffff, v5  }
0x91: {  	v5 =	vsel vm12, $0x0, v4;
	(xrf0) =	vadd.scan.msk.s32 $0xffff, v6  }
0x92: {  	v6 =	vsel vm13, $0x0, v4;
	(xrf0) =	vadd.scan.msk.s32 $0xffff, v5  }
0x93: {  	v5 =	vsel vm14, $0x0, v4;
	v11, _, _ =	vpop (xrf0);
	(xrf0) =	vadd.scan.msk.s32 $0xffff, v6  }
0x94: {  	v6 =	vsel vm15, $0x0, v4;
	(v2sf) =	vpush v11, $0xF;
	v11, _, _ =	vpop (xrf0);
	(xrf0) =	vadd.scan.msk.s32 $0xffff, v5  }
0x95: {  	v13 =	vsel vm6, $0x0, v4;
	v12, _, _ =	vpop (xrf0);
	(v2sf) =	vpush v11, $0xF;
	(xrf0) =	vadd.scan.msk.s32 $0xffff, v6  }
0x96: {  	v6 =	vsel vm7, $0x0, v4;
	(v2sf) =	vpush v12, $0xF;
	v11, _, _ =	vpop (xrf0);
	(xrf0) =	vadd.scan.msk.s32 $0xffff, v13  }
0x97: {  	v12 =	vsel vm5, $0x0, v4;
	(v2sf) =	vpush v11, $0xF;
	v5, _, _ =	vpop (xrf0);
	(xrf0) =	vadd.scan.msk.s32 $0xffff, v6  }
0x98: {  	(v2sf) =	vpush v5, $0xF;
	(xrf0) =	vadd.scan.msk.s32 $0xffff, v12;
	v4, _, _ =	vpop (xrf0)  }
0x99: {  	(xrf0) =	vadd.scan.msk.s32 $0xffff, v10;
	v5, _, _ =	vpop (xrf0)  }
0x9a: {  	(xrf0) =	vadd.scan.msk.s32 $0xffff, v7;
	v6, _, _ =	vpop (xrf0)  }
0x9b: {  	(xrf0) =	vadd.scan.msk.s32 $0xffff, v9;
	(v2sf) =	vpush v4, $0xF;
	v4, _, _ =	vpop (xrf0)  }
0x9c: {  	v7, _, _ =	vpop (xrf0);
	(xrf0) =	vadd.scan.msk.s32 $0xffff, v8  }
0x9d: {  	s25 =	sshra.s32 s25, $0x2;
	(v2sf) =	vpush v7, $0xF;
	v7, _, _ =	vpop (xrf0)  }
0x9e: {  	s15 =	sadd.s32 $0x300, s25;
	v8, _, _ =	vpop (xrf0);
	(v2sf) =	vpush v7, $0xF  }
0x9f: {  	s1 =	sadd.s32 $0x400, s25;
	(v2sf) =	vpush v8, $0xF;
	v7, _, _ =	vpop (xrf0)  }
0xa0: {  	s5 =	sadd.s32 $0x200, s25;
	s6 =	sadd.s32 $0x280, s25;
	v8, _, _ =	vpop (xrf0)  }
0xa1: {  	s28 =	sadd.s32 $0x800, s25;
	s26 =	sadd.s32 $0x880, s25;
	v9, _, _ =	vpop (xrf0)  }
0xa2: {  	s14 =	sadd.s32 $0x480, s25;
	s30 =	sadd.s32 $0x700, s25;
	s29 =	sadd.s32 $0x780, s25;
	v10, _, _ =	vpop (xrf0)  }
0xa3: {  	s31 =	sadd.s32 $0x680, s25;
	s0 =	sadd.s32 $0x600, s25;
	s9 =	spop (v2sf);
	(v2sf) =	vpush v7, $0xF  }
0xa4: {  	s7 =	sshll.u32 s9, $0x4;
	s9 =	sadd.s32 $0x580, s25;
	s13 =	spop (v2sf)  }
0xa5: {  	s7 =	sand.u32 $0x1FFFFFF0, s7;
	s13 =	sshll.u32 s13, $0x4;
	s4 =	spop (v2sf)  }
0xa6: {  	s4 =	sshll.u32 s4, $0x4;
	s13 =	sand.u32 $0x1FFFFFF0, s13;
	s8 =	spop (v2sf);
	(v2sf) =	vpush v8, $0xF  }
0xa7: {  	s4 =	sand.u32 $0x1FFFFFF0, s4;
	s8 =	sshll.u32 s8, $0x4;
	s12 =	spop (v2sf)  }
0xa8: {  	s10 =	sadd.s32 $0x380, s25;
	s4 =	sadd.s32 s3, s4;
	s8 =	sand.u32 $0x1FFFFFF0, s8;
	(v2sf) =	vpush v9, $0xF  }
0xa9: {  	[tilespmem:s5], [sflag:$0x1] =	stream.linear.gather [hbm4b:s4+s2], $0x80, $0x38;
	[tilespmem:$0x10600] =	vst v63  }
0xaa: {  	s4 =	sadd.s32 s3, s8;
	s5 =	sshll.u32 s12, $0x4;
	s8 =	spop (v2sf)  }
0xab: {  	[tilespmem:s6], [sflag:$0x1] =	stream.linear.gather [hbm4b:s4+s2], $0x80, $0x38;
	[tilespmem:$0x10600] =	vst v63  }
0xac: {  	s4 =	sand.u32 $0x1FFFFFF0, s5;
	s5 =	sshll.u32 s8, $0x4;
	s6 =	spop (v2sf);
	(v2sf) =	vpush v10, $0xF  }
0xad: {  	s4 =	sadd.s32 s3, s4;
	s6 =	sshll.u32 s6, $0x4;
	s8 =	spop (v2sf)  }
0xae: {  	s6 =	sand.u32 $0x1FFFFFF0, s6;
	s8 =	sshll.u32 s8, $0x4;
	s12 =	spop (v2sf);
	(v2sf) =	vpush v5, $0xF  }
0xaf: {  	[tilespmem:s15], [sflag:$0x1] =	stream.linear.gather [hbm4b:s4+s2], $0x80, $0x38;
	[tilespmem:$0x10600] =	vst v63  }
0xb0: {  	s4 =	sadd.s32 s3, s7;
	s7 =	sshll.u32 s12, $0x4;
	s8 =	sand.u32 $0x1FFFFFF0, s8  }
0xb1: {  	[tilespmem:s10], [sflag:$0x1] =	stream.linear.gather [hbm4b:s4+s2], $0x80, $0x38;
	[tilespmem:$0x10600] =	vst v63  }
0xb2: {  	s5 =	sand.u32 $0x1FFFFFF0, s5;
	s4 =	sand.u32 $0x1FFFFFF0, s7;
	s7 =	spop (v2sf);
	(v2sf) =	vpush v6, $0xF  }
0xb3: {  	s10 =	sadd.s32 s3, s13;
	s4 =	sadd.s32 s3, s4;
	s7 =	sshll.u32 s7, $0x4  }
0xb4: {  	[tilespmem:s1], [sflag:$0x1] =	stream.linear.gather [hbm4b:s10+s2], $0x80, $0x38;
	(v2sf) =	vpush v4, $0xF;
	[tilespmem:$0x10600] =	vst v63  }
0xb5: {  	s1 =	sadd.s32 $0x500, s25;
	s7 =	sand.u32 $0x1FFFFFF0, s7;
	s10 =	spop (v2sf)  }
0xb6: {  	[tilespmem:s14], [sflag:$0x1] =	stream.linear.gather [hbm4b:s4+s2], $0x80, $0x38;
	[tilespmem:$0x10600] =	vst v63  }
0xb7: {  	s4 =	sadd.s32 s3, s6;
	s6 =	sshll.u32 s10, $0x4;
	s10 =	spop (v2sf)  }
0xb8: {  	[tilespmem:s1], [sflag:$0x1] =	stream.linear.gather [hbm4b:s4+s2], $0x80, $0x38;
	[tilespmem:$0x10600] =	vst v63  }
0xb9: {  	s1 =	sadd.s32 s3, s8;
	s4 =	sand.u32 $0x1FFFFFF0, s6;
	s6 =	sshll.u32 s10, $0x4  }
0xba: {  	[tilespmem:s9], [sflag:$0x1] =	stream.linear.gather [hbm4b:s1+s2], $0x80, $0x38;
	[tilespmem:$0x10600] =	vst v63  }
0xbb: {  	s6 =	sand.u32 $0x1FFFFFF0, s6;
	s1 =	sadd.s32 s3, s7;
	s7 =	spop (v2sf)  }
0xbc: {  	[tilespmem:s0], [sflag:$0x1] =	stream.linear.gather [hbm4b:s1+s2], $0x80, $0x38;
	[tilespmem:$0x10600] =	vst v63  }
0xbd: {  	s0 =	sadd.s32 s3, s4;
	s1 =	sshll.u32 s7, $0x4;
	s4 =	spop (v2sf)  }
0xbe: {  	[tilespmem:s31], [sflag:$0x1] =	stream.linear.gather [hbm4b:s0+s2], $0x80, $0x38;
	[tilespmem:$0x10600] =	vst v63  }
0xbf: {  	s1 =	sand.u32 $0x1FFFFFF0, s1;
	s0 =	sadd.s32 s3, s6;
	s4 =	sshll.u32 s4, $0x4  }
0xc0: {  	[tilespmem:s30], [sflag:$0x1] =	stream.linear.gather [hbm4b:s0+s2], $0x80, $0x38;
	[tilespmem:$0x10600] =	vst v63  }
0xc1: {  	s0 =	sadd.s32 s3, s1;
	s1 =	sand.u32 $0x1FFFFFF0, s4;
	s4 =	spop (v2sf)  }
0xc2: {  	[tilespmem:s29], [sflag:$0x1] =	stream.linear.gather [hbm4b:s0+s2], $0x80, $0x38;
	[tilespmem:$0x10600] =	vst v63  }
0xc3: {  	s0 =	sadd.s32 s3, s5;
	s4 =	sshll.u32 s4, $0x4;
	s5 =	spop (v2sf)  }
0xc4: {  	[tilespmem:s28], [sflag:$0x1] =	stream.linear.gather [hbm4b:s0+s2], $0x80, $0x38;
	[tilespmem:$0x10600] =	vst v63  }
0xc5: {  	s0 =	sadd.s32 s3, s1;
	s1 =	sand.u32 $0x1FFFFFF0, s4;
	s4 =	sshll.u32 s5, $0x4  }
0xc6: {  	[tilespmem:s26], [sflag:$0x1] =	stream.linear.gather [hbm4b:s0+s2], $0x80, $0x38;
	[tilespmem:$0x10600] =	vst v63  }
0xc7: {  	s1 =	sadd.s32 s3, s1;
	s4 =	sand.u32 $0x1FFFFFF0, s4;
	s0 =	sadd.s32 $0x900, s25  }
0xc8: {  	[tilespmem:s0], [sflag:$0x1] =	stream.linear.gather [hbm4b:s1+s2], $0x80, $0x38;
	[tilespmem:$0x10600] =	vst v63  }
0xc9: {  	p1 =	slt.u32 s24, $0x2;
	s0 =	sadd.s32 $0x980, s25;
	s1 =	sadd.s32 s3, s4  }
0xca: {  	v5 =	vlaneseq.u32 @!p1;
	v4 =	vmov @!p1 s20;
	[tilespmem:s0], [sflag:$0x1] =	stream.linear.gather [hbm4b:s1+s2], $0x80, $0x38;
	[tilespmem:$0x10600] =	vst v63  }
0xcb: {  	v5 =	vmul.u32 @!p1 $0x80, v5;
	v4 =	vshll.u32 @!p1 v4, $0x7;
	s25 =	simm.s32 @!p1 $0x1  }
0xcc: {  	_ =	swait.ge @!p1 [sflag:s25], $0x80  }
0xcd: {  	v5 =	vor.u32 @!p1 v5, v4;
	[sflag:s25] =	ssyncset.done @!p1 $0x0  }
0xce: {  	v4 =	vor.u32 @!p1 $0x1, v5;
	[sflag:s25] =	ssyncadd.s32 @!p1 $0xFFFFFF80  }
0xcf: {  	_ =	swait.ge @!p1 [sflag:s25], $0x80  }
0xd0: {  	[sflag:s25] =	ssyncset.done @!p1 $0x0  }
0xd1: {  	[sflag:s25] =	ssyncadd.s32 @!p1 $0xFFFFFF80  }
0xd2: {  	_ =	swait.ge @!p1 [sflag:s25], $0x80  }
0xd3: {  	[sflag:s25] =	ssyncset.done @!p1 $0x0  }
0xd4: {  	[sflag:s25] =	ssyncadd.s32 @!p1 $0xFFFFFF80  }
0xd5: {  	_ =	swait.ge @!p1 [sflag:s25], $0x80  }
0xd6: {  	[sflag:s25] =	ssyncset.done @!p1 $0x0  }
0xd7: {  	[sflag:s25] =	ssyncadd.s32 @!p1 $0xFFFFFF80  }
0xd8: {  	_ =	swait.ge @!p1 [sflag:s25], $0x80  }
0xd9: {  	[sflag:s25] =	ssyncset.done @!p1 $0x0  }
0xda: {  	[sflag:s25] =	ssyncadd.s32 @!p1 $0xFFFFFF80  }
0xdb: {  	_ =	swait.ge @!p1 [sflag:s25], $0x80  }
0xdc: {  	[sflag:s25] =	ssyncset.done @!p1 $0x0  }
0xdd: {  	[sflag:s25] =	ssyncadd.s32 @!p1 $0xFFFFFF80  }
0xde: {  	_ =	swait.ge @!p1 [sflag:s25], $0x80  }
0xdf: {  	[sflag:s25] =	ssyncset.done @!p1 $0x0  }
0xe0: {  	[sflag:s25] =	ssyncadd.s32 @!p1 $0xFFFFFF80  }
0xe1: {  	_ =	swait.ge @!p1 [sflag:s25], $0x80  }
0xe2: {  	[sflag:s25] =	ssyncset.done @!p1 $0x0  }
0xe3: {  	[sflag:s25] =	ssyncadd.s32 @!p1 $0xFFFFFF80  }
0xe4: {  	_ =	swait.ge @!p1 [sflag:s25], $0x80  }
0xe5: {  	[sflag:s25] =	ssyncset.done @!p1 $0x0  }
0xe6: {  	[sflag:s25] =	ssyncadd.s32 @!p1 $0xFFFFFF80  }
0xe7: {  	_ =	swait.ge @!p1 [sflag:s25], $0x80  }
0xe8: {  	[sflag:s25] =	ssyncset.done @!p1 $0x0  }
0xe9: {  	[sflag:s25] =	ssyncadd.s32 @!p1 $0xFFFFFF80  }
0xea: {  	_ =	swait.ge @!p1 [sflag:s25], $0x80  }
0xeb: {  	[sflag:s25] =	ssyncset.done @!p1 $0x0  }
0xec: {  	[sflag:s25] =	ssyncadd.s32 @!p1 $0xFFFFFF80  }
0xed: {  	_ =	swait.ge @!p1 [sflag:s25], $0x80  }
0xee: {  	[sflag:s25] =	ssyncset.done @!p1 $0x0  }
0xef: {  	[sflag:s25] =	ssyncadd.s32 @!p1 $0xFFFFFF80  }
0xf0: {  	_ =	swait.ge @!p1 [sflag:s25], $0x80  }
0xf1: {  	[sflag:s25] =	ssyncset.done @!p1 $0x0  }
0xf2: {  	[sflag:s25] =	ssyncadd.s32 @!p1 $0xFFFFFF80  }
0xf3: {  	_ =	swait.ge @!p1 [sflag:s25], $0x80  }
0xf4: {  	[sflag:s25] =	ssyncset.done @!p1 $0x0  }
0xf5: {  	[sflag:s25] =	ssyncadd.s32 @!p1 $0xFFFFFF80  }
0xf6: {  	_ =	swait.ge @!p1 [sflag:s25], $0x80  }
.Ltmp0:
0xf7: {  	[sflag:s25] =	ssyncset.done @!p1 $0x0;
	(pc) =	sbr.rel @p0 .LBB2_2-.Ltmp0, $4  }
0xf8: {  	[sflag:s25] =	ssyncadd.s32 @!p1 $0xFFFFFF80  }
0xf9: {  	_ =	swait.ge @!p1 [sflag:s25], $0x80  }
0xfa: {  	s21 =	sadd.s32 $0x10, s21;
	s20 =	sadd.s32 $0x10, s20;
	[sflag:s25] =	ssyncset.done @!p1 $0x0  }
0xfb: {  	s22 =	sadd.s32 $0x10, s22;
	s0 =	simm.s32 @!p1 $0x200;
	[sflag:s25] =	ssyncadd.s32 @!p1 $0xFFFFFF80  }
0xfc: {  	_ =	sdelay $0x3  }
0xfd: {  	v5 =	vld.idx.msk @!p1 [tilespmem:v5+s0+$0x0], $0xffff;
	_ =	sdelay $0x4  }
0xfe: {  	[tilespmem:s23+$0x0] =	vst @!p1 v5  }
0xff: {  	v4 =	vld.idx.msk @!p1 [tilespmem:v4+s0+$0x0], $0xffff;
	_ =	sdelay $0x4  }
0x100: {  	[tilespmem:s17+$0x0] =	vst @!p1 v4  }
0x101: {  	_ =	swait.ge [sflag:s11], $0x80  }
0x102: {  	[sflag:s11] =	ssyncset.done $0x0  }
0x103: {  	[sflag:s11] =	ssyncadd.s32 $0xFFFFFF80  }
0x104: {  	_ =	swait.ge [sflag:s11], $0x80  }
0x105: {  	[sflag:s11] =	ssyncset.done $0x0  }
0x106: {  	[sflag:s11] =	ssyncadd.s32 $0xFFFFFF80  }
0x107: {  	_ =	swait.ge [sflag:s11], $0x80  }
0x108: {  	[sflag:s11] =	ssyncset.done $0x0  }
0x109: {  	[sflag:s11] =	ssyncadd.s32 $0xFFFFFF80  }
0x10a: {  	_ =	swait.ge [sflag:s11], $0x80  }
0x10b: {  	[sflag:s11] =	ssyncset.done $0x0  }
0x10c: {  	[sflag:s11] =	ssyncadd.s32 $0xFFFFFF80  }
0x10d: {  	_ =	swait.ge [sflag:s11], $0x80  }
0x10e: {  	[sflag:s11] =	ssyncset.done $0x0  }
0x10f: {  	[sflag:s11] =	ssyncadd.s32 $0xFFFFFF80  }
0x110: {  	_ =	swait.ge [sflag:s11], $0x80  }
0x111: {  	[sflag:s11] =	ssyncset.done $0x0  }
0x112: {  	[sflag:s11] =	ssyncadd.s32 $0xFFFFFF80  }
0x113: {  	_ =	swait.ge [sflag:s11], $0x80  }
0x114: {  	[sflag:s11] =	ssyncset.done $0x0  }
0x115: {  	[sflag:s11] =	ssyncadd.s32 $0xFFFFFF80  }
0x116: {  	_ =	swait.ge [sflag:s11], $0x80  }
0x117: {  	[sflag:s11] =	ssyncset.done $0x0  }
0x118: {  	[sflag:s11] =	ssyncadd.s32 $0xFFFFFF80  }
0x119: {  	_ =	swait.ge [sflag:s11], $0x80  }
0x11a: {  	[sflag:s11] =	ssyncset.done $0x0  }
0x11b: {  	[sflag:s11] =	ssyncadd.s32 $0xFFFFFF80  }
0x11c: {  	_ =	swait.ge [sflag:s11], $0x80  }
0x11d: {  	[sflag:s11] =	ssyncset.done $0x0  }
0x11e: {  	[sflag:s11] =	ssyncadd.s32 $0xFFFFFF80  }
0x11f: {  	_ =	swait.ge [sflag:s11], $0x80  }
0x120: {  	[sflag:s11] =	ssyncset.done $0x0  }
0x121: {  	[sflag:s11] =	ssyncadd.s32 $0xFFFFFF80  }
0x122: {  	_ =	swait.ge [sflag:s11], $0x80  }
0x123: {  	[sflag:s11] =	ssyncset.done $0x0  }
0x124: {  	[sflag:s11] =	ssyncadd.s32 $0xFFFFFF80  }
0x125: {  	_ =	swait.ge [sflag:s11], $0x80  }
0x126: {  	[sflag:s11] =	ssyncset.done $0x0  }
0x127: {  	[sflag:s11] =	ssyncadd.s32 $0xFFFFFF80  }
0x128: {  	_ =	swait.ge [sflag:s11], $0x80  }
0x129: {  	[sflag:s11] =	ssyncset.done $0x0  }
0x12a: {  	[sflag:s11] =	ssyncadd.s32 $0xFFFFFF80  }
0x12b: {  	_ =	swait.ge [sflag:s11], $0x80  }
0x12c: {  	[sflag:s11] =	ssyncset.done $0x0  }
0x12d: {  	[sflag:s11] =	ssyncadd.s32 $0xFFFFFF80  }
0x12e: {  	_ =	swait.ge [sflag:s11], $0x80  }
0x12f: {  	[sflag:s11] =	ssyncset.done $0x0  }
0x130: {  	s28 =	simm.s32 $0x200;
	[sflag:s11] =	ssyncadd.s32 $0xFFFFFF80  }
0x131: {  	v4 =	vld.idx.msk [tilespmem:v0+s28+$0x0], $0xffff;
	_ =	sdelay $0x4  }
0x132: {  	[tilespmem:$0x103E0] =	vst v4  }
0x133: {  	v4 =	vld.idx.msk [tilespmem:v1+s28+$0x0], $0xffff;
	_ =	sdelay $0x4  }
0x134: {  	[tilespmem:$0x105E0] =	vst v4  }
0x135: {  	_ =	swait.ge [sflag:s11], $0x80  }
0x136: {  	[sflag:s11] =	ssyncset.done $0x0  }
0x137: {  	[sflag:s11] =	ssyncadd.s32 $0xFFFFFF80  }
0x138: {  	_ =	swait.ge [sflag:s11], $0x80  }
0x139: {  	[sflag:s11] =	ssyncset.done $0x0  }
0x13a: {  	[sflag:s11] =	ssyncadd.s32 $0xFFFFFF80  }
0x13b: {  	_ =	swait.ge [sflag:s11], $0x80  }
0x13c: {  	[sflag:s11] =	ssyncset.done $0x0  }
0x13d: {  	[sflag:s11] =	ssyncadd.s32 $0xFFFFFF80  }
0x13e: {  	_ =	swait.ge [sflag:s11], $0x80  }
0x13f: {  	[sflag:s11] =	ssyncset.done $0x0  }
0x140: {  	[sflag:s11] =	ssyncadd.s32 $0xFFFFFF80  }
0x141: {  	_ =	swait.ge [sflag:s11], $0x80  }
0x142: {  	[sflag:s11] =	ssyncset.done $0x0  }
0x143: {  	[sflag:s11] =	ssyncadd.s32 $0xFFFFFF80  }
0x144: {  	_ =	swait.ge [sflag:s11], $0x80  }
0x145: {  	[sflag:s11] =	ssyncset.done $0x0  }
0x146: {  	[sflag:s11] =	ssyncadd.s32 $0xFFFFFF80  }
0x147: {  	_ =	swait.ge [sflag:s11], $0x80  }
0x148: {  	[sflag:s11] =	ssyncset.done $0x0  }
0x149: {  	[sflag:s11] =	ssyncadd.s32 $0xFFFFFF80  }
0x14a: {  	_ =	swait.ge [sflag:s11], $0x80  }
0x14b: {  	[sflag:s11] =	ssyncset.done $0x0  }
0x14c: {  	[sflag:s11] =	ssyncadd.s32 $0xFFFFFF80  }
0x14d: {  	_ =	swait.ge [sflag:s11], $0x80  }
0x14e: {  	[sflag:s11] =	ssyncset.done $0x0  }
0x14f: {  	[sflag:s11] =	ssyncadd.s32 $0xFFFFFF80  }
0x150: {  	_ =	swait.ge [sflag:s11], $0x80  }
0x151: {  	[sflag:s11] =	ssyncset.done $0x0  }
0x152: {  	[sflag:s11] =	ssyncadd.s32 $0xFFFFFF80  }
0x153: {  	_ =	swait.ge [sflag:s11], $0x80  }
0x154: {  	[sflag:s11] =	ssyncset.done $0x0  }
0x155: {  	[sflag:s11] =	ssyncadd.s32 $0xFFFFFF80  }
0x156: {  	_ =	swait.ge [sflag:s11], $0x80  }
0x157: {  	[sflag:s11] =	ssyncset.done $0x0  }
0x158: {  	[sflag:s11] =	ssyncadd.s32 $0xFFFFFF80  }
0x159: {  	_ =	swait.ge [sflag:s11], $0x80  }
0x15a: {  	[sflag:s11] =	ssyncset.done $0x0  }
0x15b: {  	[sflag:s11] =	ssyncadd.s32 $0xFFFFFF80  }
0x15c: {  	_ =	swait.ge [sflag:s11], $0x80  }
0x15d: {  	[sflag:s11] =	ssyncset.done $0x0  }
0x15e: {  	[sflag:s11] =	ssyncadd.s32 $0xFFFFFF80  }
0x15f: {  	_ =	swait.ge [sflag:s11], $0x80  }
0x160: {  	[sflag:s11] =	ssyncset.done $0x0  }
0x161: {  	[sflag:s11] =	ssyncadd.s32 $0xFFFFFF80  }
0x162: {  	_ =	swait.ge [sflag:s11], $0x80  }
0x163: {  	[sflag:s11] =	ssyncset.done $0x0  }
0x164: {  	[sflag:s11] =	ssyncadd.s32 $0xFFFFFF80  }
0x165: {  	v4 =	vld.idx.msk [tilespmem:v2+s28+$0x0], $0xffff;
	_ =	sdelay $0x4  }
0x166: {  	[tilespmem:$0x103F0] =	vst v4  }
0x167: {  	v4 =	vld.idx.msk [tilespmem:v3+s28+$0x0], $0xffff;
	_ =	sdelay $0x3  }
0x168: {  	s1 =	simm.s32 $0x80  }
0x169: {  	s4 =	simm.s32 $0x100;
	s5 =	simm.s32 $0x10200;
	s29 =	rddreg [dreg:$0x3];
	[tilespmem:$0x105F0] =	vst v4  }
0x16a: {  	[hbm4b:s29+s1] =	stream.strided.scatter [tilespmem:s5], [sflag:$0x2], $0x200, s4, s1, $0x38;
	[tilespmem:$0x10600] =	vst v63  }
0x16b: {  	s5 =	simm.s32 $0x2  }
0x16c: {  	_ =	swait.ge [sflag:s5], $0x200  }
0x16d: {  	[sflag:s5] =	ssyncset.done $0x0  }
0x16e: {  	s6 =	simm.s32 $0x10400;
	s30 =	rddreg [dreg:$0x5];
	[sflag:s5] =	ssyncadd.s32 $0xFFFFFE00  }
0x16f: {  	[hbm4b:s30+s1] =	stream.strided.scatter [tilespmem:s6], [sflag:$0x2], $0x200, s4, s1, $0x38;
	[tilespmem:$0x10600] =	vst v63  }
0x170: {  	_ =	swait.ge [sflag:s5], $0x200  }
0x171: {  	s16 =	sadd.s32 $0x1, s16;
	s31 =	rddreg [dreg:$0x6]  }
0x172: {  	p0 =	sne.s32 s16, s31  }
.Ltmp1:
0x173: {  	_ = 	snop;
	(pc) =	sbr.rel @p0 .LBB2_1-.Ltmp1, $3  }
0x174: {  	_ =	sdelay $0x1  }
0x175: {  	[sflag:s5] =	ssyncset.done $0x0  }
0x176: {  	[sflag:s5] =	ssyncadd.s32 $0xFFFFFE00  }
0x177: {  	_ =	sfence.sel $0x180000  }
0x178: {  	[bflag:$0x0] =	sbarrier.arrive $0xFFFF  }
0x179: {  	_ =	strace $0x90000047  }
0x17a: {  	s0 =	stileid.u32;
	[bflag:$0x2] =	sbarrier.arrive $0xFFFF  }
0x17b: {  	p0 =	sne.s32 s0, $0x0;
	s0 =	rddreg [dreg:$0x2]  }
0x17c: {  	s0 =	sadd.s32 @!p0 $0x100000, s0  }
0x17d: {  	[sflag:s0] =	ssyncadd.tile.s32 @!p0 $0x1;
	_ =	shalt  }
.Lfunc_end2:
_tile_overlayer_lowered:
.L_overlay_start_2:
0x17e: {  	(tag) =	ssettag $0x2  }
0x17f: {  	s0 =	rddreg [dreg:$0x0];
	s2 =	stileid.u32  }
0x180: {  	s1 =	rddreg [dreg:$0x1];
	p0 =	sne.s32 s2, $0x0  }
0x181: {  	s3 =	rddreg [dreg:$0x2];
	[bflag:$0x3] =	sbarrier.arrive $0xFFFF;
	s2 =	simm.s32 @!p0 $0x1C02  }
0x182: {  	[timem:s3], [sflag:s2] =	dma.local @!p0 [hbm:s0], s1  }
0x183: {  	s0 =	simm.s32 @!p0 $0x2  }
0x184: {  	_ =	swait.ge @!p0 [sflag:s0], s1  }
0x185: {  	s1 =	ssub.s32 @!p0 $0x0, s1;
	[sflag:s0] =	ssyncset.done @!p0 $0x0  }
0x186: {  	[sflag:s0] =	ssyncadd.s32 @!p0 s1  }
0x187: {  	[bflag:$0x3] =	sbarrier.arrive $0xFFFF  }
0x188: {  	_ =	shalt  }

</sc_bundles>
